<compile_context>
chip_gen: v7x
topology: tpu7x:2x2x1
jax: 0.10.2.dev20260603
libtpu: 0.0.44.dev20260713+nightly
codegen_flags: <defaults>
</compile_context>

<pallas_src>
import jax
import jax.numpy as jnp
from jax.experimental import pallas as pl
from jax.experimental.pallas import tpu as pltpu

B = 128
V = 100000
NC = 782
NCM = 781
NG = 7
WIN = 962
NWIN = 13
NT = V // 8
RB = 32
NEG_INF = float("-inf")


def _max_body(x_ref, m_ref, macc):
    w = pl.program_id(0)

    @pl.when(w == 0)
    def _():
        macc[...] = jnp.full((8, 128), NEG_INF, jnp.float32)

    valid = 12500 - WIN * w

    def step(t, acc):
        for u in range(13):
            g = t * 13 + u
            sl = x_ref[pl.ds(g * 8, 8), :]
            sl = jnp.where(g < valid, sl, NEG_INF)
            acc = jnp.maximum(acc, sl)
        return acc

    macc[...] = jax.lax.fori_loop(0, WIN // 13, step, macc[...])

    @pl.when(w == NWIN - 1)
    def _():
        m_ref[...] = jnp.max(macc[...], axis=0, keepdims=True)


def _z_body(x_ref, m_ref, z_ref, tot):
    w = pl.program_id(0)

    @pl.when(w == 0)
    def _():
        tot[...] = jnp.zeros((1, 128), jnp.float32)

    m = m_ref[...]
    valid = 12500 - WIN * w

    def step(t, acc):
        for u in range(13):
            g = t * 13 + u
            sl = x_ref[pl.ds(g * 8, 8), :]
            e = jnp.exp(sl - m)
            e = jnp.where(g < valid, e, jnp.float32(0.0))
            acc = acc + e
        return acc

    acc = jax.lax.fori_loop(0, WIN // 13, step,
                            jnp.zeros((8, 128), jnp.float32))
    b4 = acc[0:4, :] + acc[4:8, :]
    b2 = b4[0:2, :] + b4[2:4, :]
    b1 = b2[0:1, :] + b2[1:2, :]
    tot[...] = tot[...] + b1

    @pl.when(w == NWIN - 1)
    def _():
        z_ref[...] = tot[...]


def _t_body(x_ref, m_ref, z_ref, t_ref):
    m = m_ref[...]
    z = z_ref[...]

    def step(t, acc):
        for u in range(16):
            e = jnp.exp(x_ref[t * 16 + u] - m)
            acc = acc + e / z
        return acc

    t_ref[...] = jax.lax.fori_loop(0, 8, step,
                                   jnp.zeros((RB, NC), jnp.float32))


def _off_body(t_ref, out_ref, u_scr):
    def step(h, acc):
        acc = acc + t_ref[h]
        u_scr[h] = acc
        return acc

    g_tot = jax.lax.fori_loop(0, 128, step, jnp.zeros((NG, 128), jnp.float32))
    rows = []
    a = jnp.zeros((1, 128), jnp.float32)
    for g in range(NG):
        rows.append(a)
        a = a + g_tot[g:g + 1, :]
    off3 = jnp.concatenate(rows, axis=0)

    def step2(h, _):
        out_ref[h] = off3 + u_scr[h]
        return 0

    jax.lax.fori_loop(0, 128, step2, 0)


def _count_body(x_ref, m_ref, z_ref, off_ref, r_ref, a_ref, p_ref):
    m = m_ref[...]
    z = z_ref[...]
    off = off_ref[...]
    r = r_ref[...]
    c_iota = jax.lax.broadcasted_iota(jnp.int32, (RB, NC), 1)
    tail_ok = c_iota != (NC - 1)

    def step(t, carry):
        acc, cnt = carry
        for u in range(16):
            i = t * 16 + u
            e = jnp.exp(x_ref[i] - m)
            p = e / z
            acc = acc + p
            s = acc + off
            valid = jnp.logical_or(i < 32, tail_ok)
            ok = jnp.logical_and(s < r, valid)
            cnt = cnt + ok.astype(jnp.int32)
        return acc, cnt

    _, cnt = jax.lax.fori_loop(
        0, 8, step,
        (jnp.zeros((RB, NC), jnp.float32), jnp.zeros((RB, NC), jnp.int32)))
    k = jnp.sum(cnt, axis=1, keepdims=True)
    a = jnp.minimum(k, V - 1)
    a_ref[...] = a
    c_star = a // 128
    i_star = a - c_star * 128
    c_hit = c_iota == c_star

    def step2(t, sel):
        for u in range(16):
            i = t * 16 + u
            hit = jnp.logical_and(c_hit, i == i_star)
            p = jnp.exp(x_ref[i] - m) / z
            sel = sel + jnp.where(hit, p, jnp.float32(0.0))
        return sel

    sel = jax.lax.fori_loop(0, 8, step2, jnp.zeros((RB, NC), jnp.float32))
    p_ref[...] = jnp.sum(sel, axis=1, keepdims=True)


def kernel(X, r):
    Xt = X.T
    Xp = jnp.pad(X, ((0, 0), (0, NC * 128 - V)), constant_values=-jnp.inf)
    Xr = jnp.transpose(Xp.reshape(B, NC, 128), (2, 0, 1))

    m = pl.pallas_call(
        _max_body,
        grid=(NWIN,),
        in_specs=[pl.BlockSpec((WIN * 8, B), lambda w: (w, 0))],
        out_specs=pl.BlockSpec((1, B), lambda w: (0, 0)),
        out_shape=jax.ShapeDtypeStruct((1, B), jnp.float32),
        scratch_shapes=[pltpu.VMEM((8, 128), jnp.float32)],
    )(Xt)

    z = pl.pallas_call(
        _z_body,
        grid=(NWIN,),
        in_specs=[pl.BlockSpec((WIN * 8, B), lambda w: (w, 0)),
                  pl.BlockSpec((1, B), lambda w: (0, 0))],
        out_specs=pl.BlockSpec((1, B), lambda w: (0, 0)),
        out_shape=jax.ShapeDtypeStruct((1, B), jnp.float32),
        scratch_shapes=[pltpu.VMEM((1, 128), jnp.float32)],
    )(Xt, m)

    mb = m.reshape(B, 1)
    zb = z.reshape(B, 1)

    T = pl.pallas_call(
        _t_body,
        grid=(B // RB,),
        in_specs=[pl.BlockSpec((128, RB, NC), lambda i: (0, i, 0)),
                  pl.BlockSpec((RB, 1), lambda i: (i, 0)),
                  pl.BlockSpec((RB, 1), lambda i: (i, 0))],
        out_specs=pl.BlockSpec((RB, NC), lambda i: (i, 0)),
        out_shape=jax.ShapeDtypeStruct((B, NC), jnp.float32),
    )(Xr, mb, zb)

    Tp = jnp.pad(T, ((0, 0), (0, NG * 128 - NC)))
    Tt = jnp.transpose(Tp.reshape(B, NG, 128), (2, 1, 0))

    Coff = pl.pallas_call(
        _off_body,
        grid=(1,),
        in_specs=[pl.BlockSpec((128, NG, B), lambda i: (0, 0, 0))],
        out_specs=pl.BlockSpec((128, NG, B), lambda i: (0, 0, 0)),
        out_shape=jax.ShapeDtypeStruct((128, NG, B), jnp.float32),
        scratch_shapes=[pltpu.VMEM((128, NG, 128), jnp.float32)],
    )(Tt)

    Coffr = jnp.transpose(Coff, (2, 1, 0)).reshape(B, NG * 128)[:, :NC]
    offset = jnp.concatenate(
        [jnp.zeros((B, 1), jnp.float32), Coffr[:, :NC - 1]], axis=1)

    a, probs = pl.pallas_call(
        _count_body,
        grid=(B // RB,),
        in_specs=[pl.BlockSpec((128, RB, NC), lambda i: (0, i, 0)),
                  pl.BlockSpec((RB, 1), lambda i: (i, 0)),
                  pl.BlockSpec((RB, 1), lambda i: (i, 0)),
                  pl.BlockSpec((RB, NC), lambda i: (i, 0)),
                  pl.BlockSpec((RB, 1), lambda i: (i, 0))],
        out_specs=[pl.BlockSpec((RB, 1), lambda i: (i, 0)),
                   pl.BlockSpec((RB, 1), lambda i: (i, 0))],
        out_shape=[jax.ShapeDtypeStruct((B, 1), jnp.int32),
                   jax.ShapeDtypeStruct((B, 1), jnp.float32)],
    )(Xr, mb, zb, offset, r.reshape(B, 1))

    return a.reshape(B), probs.reshape(B)

# --- scband reference (transcript-rebuilt; emitter-appended) ---
"""Pipeline reference for scband-dpolicy-34471407518293 (READ-ONLY COPY).

The authoritative reference and input builder live on the scoring server;
editing this copy changes nothing except your own understanding.
"""

import jax, jax.numpy as jnp
import numpy as np

B = 128
V = 100000

def setup_inputs(seed: int = 0) -> dict:
    key = jax.random.key(seed)
    k1, k2 = jax.random.split(key)
    X = jax.random.normal(k1, (B, V), dtype=jnp.float32)
    # uniform samples used by the inverse-CDF sampler (np.random.rand in the original)
    r = jax.random.uniform(k2, (B,), dtype=jnp.float32)
    return {"X": X, "r": r}

def reference(X, r):
    # DPolicy.get_actions: p = softmax policy probs; vectorized inverse-CDF categorical sample.
    # Concrete forward: row-wise softmax over action logits (p has shape [B, n_actions]).
    p = jax.nn.softmax(X, axis=-1)
    # vectorized(prob_matrix=p.T, items=arange(n_actions)):
    #   s = p.T.cumsum(axis=0); k = (s < r).sum(axis=0); A = items[k]
    # which is, per row: cumsum along the action axis and count entries below r.
    s = jnp.cumsum(p, axis=-1)
    k = jnp.sum((s < r[:, None]).astype(jnp.int32), axis=-1)
    A = jnp.minimum(k, X.shape[-1] - 1)
    # p[np.arange(len(A)), A]
    probs = jnp.take_along_axis(p, A[:, None], axis=-1)[:, 0]
    return (A, probs)

if __name__ == "__main__":
    import jax
    _d = setup_inputs()
    print(jax.jit(kernel)(*tuple(_d.values())))

</pallas_src>

<mosaic_0001>
module attributes {stable_mosaic.version = 14 : i64} {
  func.func @_z_body(%arg0: i32, %arg1: memref<7696x128xf32, #tpu.memory_space<vmem>>, %arg2: memref<1x128xf32, #tpu.memory_space<vmem>>, %arg3: memref<1x128xf32, #tpu.memory_space<vmem>>, %arg4: memref<1x128xf32, #tpu.memory_space<vmem>>) attributes {dimension_semantics = [#tpu.dimension_semantics<arbitrary>], iteration_bounds = array<i64: 13>, scalar_prefetch = 0 : i64, scratch_operands = 1 : i64, tpu.core_type = #tpu.core_type<tc>, window_params = [{transform_indices = @transform_0, window_bounds = array<i64: 7696, 128>}, {pipeline_mode = #tpu.pipeline_mode<synchronous>, transform_indices = @transform_1, window_bounds = array<i64: 1, 128>}, {pipeline_mode = #tpu.pipeline_mode<synchronous>, transform_indices = @transform_2, window_bounds = array<i64: 1, 128>}]} {
    %eq3A = arith.constant 0 : i32
    %eq3A_0 = arith.cmpi eq, %arg0, %eq3A : i32
    %convert_element_type3A = arith.extui %eq3A_0 : i1 to i32
    %cond3A = arith.constant 0 : i32
    %cond3A_1 = arith.cmpi ne, %convert_element_type3A, %cond3A : i32
    scf.if %cond3A_1 {
      %broadcast_in_dim3A_30 = arith.constant 0.000000e+00 : f32
      %broadcast_in_dim3A_31 = vector.broadcast %broadcast_in_dim3A_30 : f32 to vector<1x128xf32>
      %swap3A_32 = arith.constant 0 : index
      %swap3A_33 = arith.constant 0 : index
      %swap3A_34 = vector.load %arg4[%swap3A_32, %swap3A_33] : memref<1x128xf32, #tpu.memory_space<vmem>>, vector<1x128xf32>
      tpu.vector_store %arg4[%swap3A_32, %swap3A_33], %broadcast_in_dim3A_31 {strides = array<i32>} : memref<1x128xf32, #tpu.memory_space<vmem>>, vector<1x128xf32>,
    } else {
    }
    %get3A = arith.constant 0 : index
    %get3A_2 = arith.constant 0 : index
    %get3A_3 = vector.load %arg2[%get3A, %get3A_2] : memref<1x128xf32, #tpu.memory_space<vmem>>, vector<1x128xf32>
    %mul3A = arith.constant 962 : i32
    %mul3A_4 = arith.muli %mul3A, %arg0 : i32
    %sub3A = arith.constant 12500 : i32
    %sub3A_5 = arith.subi %sub3A, %mul3A_4 : i32
    %broadcast_in_dim3A = arith.constant 0.000000e+00 : f32
    %broadcast_in_dim3A_6 = vector.broadcast %broadcast_in_dim3A : f32 to vector<8x128xf32>
    %scan3A = arith.constant 0 : i32
    %scan3A_7 = arith.constant 74 : i32
    %scan3A_8 = arith.addi %scan3A, %scan3A_7 : i32
    %scan3A_9 = arith.constant 1 : i32
    %scan3A_10 = scf.for %scan3A_30 = %scan3A to %scan3A_8 step %scan3A_9 iter_args(%scan3A_31 = %broadcast_in_dim3A_6) -> (vector<8x128xf32>)  : i32 {
      %mul3A_32 = arith.constant 13 : i32
      %mul3A_33 = arith.muli %scan3A_30, %mul3A_32 : i32
      %add3A_34 = arith.constant 0 : i32
      %add3A_35 = arith.addi %mul3A_33, %add3A_34 : i32
      %mul3A_36 = arith.constant 8 : i32
      %mul3A_37 = arith.muli %add3A_35, %mul3A_36 : i32
      %get3A_38 = arith.index_cast %mul3A_37 : i32 to index
      %get3A_39 = arith.constant 0 : index
      %get3A_40 = vector.load %arg1[%get3A_38, %get3A_39] : memref<7696x128xf32, #tpu.memory_space<vmem>>, vector<8x128xf32>
      %sub3A_41 = vector.broadcast %get3A_3 : vector<1x128xf32> to vector<8x128xf32>
      %sub3A_42 = arith.subf %get3A_40, %sub3A_41 : vector<8x128xf32>
      %exp3A = math.exp %sub3A_42 : vector<8x128xf32>
      %lt3A = arith.cmpi slt, %add3A_35, %sub3A_5 : i32
      %jit3A = arith.constant 0.000000e+00 : f32
      %broadcast_in_dim3A_43 = vector.broadcast %jit3A : f32 to vector<8x128xf32>
      %select_n3A = arith.select %lt3A, %exp3A, %broadcast_in_dim3A_43 : vector<8x128xf32>
      %add3A_44 = arith.addf %scan3A_31, %select_n3A : vector<8x128xf32>
      %mul3A_45 = arith.constant 13 : i32
      %mul3A_46 = arith.muli %scan3A_30, %mul3A_45 : i32
      %add3A_47 = arith.constant 1 : i32
      %add3A_48 = arith.addi %mul3A_46, %add3A_47 : i32
      %mul3A_49 = arith.constant 8 : i32
      %mul3A_50 = arith.muli %add3A_48, %mul3A_49 : i32
      %get3A_51 = arith.index_cast %mul3A_50 : i32 to index
      %get3A_52 = arith.constant 0 : index
      %get3A_53 = vector.load %arg1[%get3A_51, %get3A_52] : memref<7696x128xf32, #tpu.memory_space<vmem>>, vector<8x128xf32>
      %sub3A_54 = vector.broadcast %get3A_3 : vector<1x128xf32> to vector<8x128xf32>
      %sub3A_55 = arith.subf %get3A_53, %sub3A_54 : vector<8x128xf32>
      %exp3A_56 = math.exp %sub3A_55 : vector<8x128xf32>
      %lt3A_57 = arith.cmpi slt, %add3A_48, %sub3A_5 : i32
      %jit3A_58 = arith.constant 0.000000e+00 : f32
      %broadcast_in_dim3A_59 = vector.broadcast %jit3A_58 : f32 to vector<8x128xf32>
      %select_n3A_60 = arith.select %lt3A_57, %exp3A_56, %broadcast_in_dim3A_59 : vector<8x128xf32>
      %add3A_61 = arith.addf %add3A_44, %select_n3A_60 : vector<8x128xf32>
      %mul3A_62 = arith.constant 13 : i32
      %mul3A_63 = arith.muli %scan3A_30, %mul3A_62 : i32
      %add3A_64 = arith.constant 2 : i32
      %add3A_65 = arith.addi %mul3A_63, %add3A_64 : i32
      %mul3A_66 = arith.constant 8 : i32
      %mul3A_67 = arith.muli %add3A_65, %mul3A_66 : i32
      %get3A_68 = arith.index_cast %mul3A_67 : i32 to index
      %get3A_69 = arith.constant 0 : index
      %get3A_70 = vector.load %arg1[%get3A_68, %get3A_69] : memref<7696x128xf32, #tpu.memory_space<vmem>>, vector<8x128xf32>
      %sub3A_71 = vector.broadcast %get3A_3 : vector<1x128xf32> to vector<8x128xf32>
      %sub3A_72 = arith.subf %get3A_70, %sub3A_71 : vector<8x128xf32>
      %exp3A_73 = math.exp %sub3A_72 : vector<8x128xf32>
      %lt3A_74 = arith.cmpi slt, %add3A_65, %sub3A_5 : i32
      %jit3A_75 = arith.constant 0.000000e+00 : f32
      %broadcast_in_dim3A_76 = vector.broadcast %jit3A_75 : f32 to vector<8x128xf32>
      %select_n3A_77 = arith.select %lt3A_74, %exp3A_73, %broadcast_in_dim3A_76 : vector<8x128xf32>
      %add3A_78 = arith.addf %add3A_61, %select_n3A_77 : vector<8x128xf32>
      %mul3A_79 = arith.constant 13 : i32
      %mul3A_80 = arith.muli %scan3A_30, %mul3A_79 : i32
      %add3A_81 = arith.constant 3 : i32
      %add3A_82 = arith.addi %mul3A_80, %add3A_81 : i32
      %mul3A_83 = arith.constant 8 : i32
      %mul3A_84 = arith.muli %add3A_82, %mul3A_83 : i32
      %get3A_85 = arith.index_cast %mul3A_84 : i32 to index
      %get3A_86 = arith.constant 0 : index
      %get3A_87 = vector.load %arg1[%get3A_85, %get3A_86] : memref<7696x128xf32, #tpu.memory_space<vmem>>, vector<8x128xf32>
      %sub3A_88 = vector.broadcast %get3A_3 : vector<1x128xf32> to vector<8x128xf32>
      %sub3A_89 = arith.subf %get3A_87, %sub3A_88 : vector<8x128xf32>
      %exp3A_90 = math.exp %sub3A_89 : vector<8x128xf32>
      %lt3A_91 = arith.cmpi slt, %add3A_82, %sub3A_5 : i32
      %jit3A_92 = arith.constant 0.000000e+00 : f32
      %broadcast_in_dim3A_93 = vector.broadcast %jit3A_92 : f32 to vector<8x128xf32>
      %select_n3A_94 = arith.select %lt3A_91, %exp3A_90, %broadcast_in_dim3A_93 : vector<8x128xf32>
      %add3A_95 = arith.addf %add3A_78, %select_n3A_94 : vector<8x128xf32>
      %mul3A_96 = arith.constant 13 : i32
      %mul3A_97 = arith.muli %scan3A_30, %mul3A_96 : i32
      %add3A_98 = arith.constant 4 : i32
      %add3A_99 = arith.addi %mul3A_97, %add3A_98 : i32
      %mul3A_100 = arith.constant 8 : i32
      %mul3A_101 = arith.muli %add3A_99, %mul3A_100 : i32
      %get3A_102 = arith.index_cast %mul3A_101 : i32 to index
      %get3A_103 = arith.constant 0 : index
      %get3A_104 = vector.load %arg1[%get3A_102, %get3A_103] : memref<7696x128xf32, #tpu.memory_space<vmem>>, vector<8x128xf32>
      %sub3A_105 = vector.broadcast %get3A_3 : vector<1x128xf32> to vector<8x128xf32>
      %sub3A_106 = arith.subf %get3A_104, %sub3A_105 : vector<8x128xf32>
      %exp3A_107 = math.exp %sub3A_106 : vector<8x128xf32>
      %lt3A_108 = arith.cmpi slt, %add3A_99, %sub3A_5 : i32
      %jit3A_109 = arith.constant 0.000000e+00 : f32
      %broadcast_in_dim3A_110 = vector.broadcast %jit3A_109 : f32 to vector<8x128xf32>
      %select_n3A_111 = arith.select %lt3A_108, %exp3A_107, %broadcast_in_dim3A_110 : vector<8x128xf32>
      %add3A_112 = arith.addf %add3A_95, %select_n3A_111 : vector<8x128xf32>
      %mul3A_113 = arith.constant 13 : i32
      %mul3A_114 = arith.muli %scan3A_30, %mul3A_113 : i32
      %add3A_115 = arith.constant 5 : i32
      %add3A_116 = arith.addi %mul3A_114, %add3A_115 : i32
      %mul3A_117 = arith.constant 8 : i32
      %mul3A_118 = arith.muli %add3A_116, %mul3A_117 : i32
      %get3A_119 = arith.index_cast %mul3A_118 : i32 to index
      %get3A_120 = arith.constant 0 : index
      %get3A_121 = vector.load %arg1[%get3A_119, %get3A_120] : memref<7696x128xf32, #tpu.memory_space<vmem>>, vector<8x128xf32>
      %sub3A_122 = vector.broadcast %get3A_3 : vector<1x128xf32> to vector<8x128xf32>
      %sub3A_123 = arith.subf %get3A_121, %sub3A_122 : vector<8x128xf32>
      %exp3A_124 = math.exp %sub3A_123 : vector<8x128xf32>
      %lt3A_125 = arith.cmpi slt, %add3A_116, %sub3A_5 : i32
      %jit3A_126 = arith.constant 0.000000e+00 : f32
      %broadcast_in_dim3A_127 = vector.broadcast %jit3A_126 : f32 to vector<8x128xf32>
      %select_n3A_128 = arith.select %lt3A_125, %exp3A_124, %broadcast_in_dim3A_127 : vector<8x128xf32>
      %add3A_129 = arith.addf %add3A_112, %select_n3A_128 : vector<8x128xf32>
      %mul3A_130 = arith.constant 13 : i32
      %mul3A_131 = arith.muli %scan3A_30, %mul3A_130 : i32
      %add3A_132 = arith.constant 6 : i32
      %add3A_133 = arith.addi %mul3A_131, %add3A_132 : i32
      %mul3A_134 = arith.constant 8 : i32
      %mul3A_135 = arith.muli %add3A_133, %mul3A_134 : i32
      %get3A_136 = arith.index_cast %mul3A_135 : i32 to index
      %get3A_137 = arith.constant 0 : index
      %get3A_138 = vector.load %arg1[%get3A_136, %get3A_137] : memref<7696x128xf32, #tpu.memory_space<vmem>>, vector<8x128xf32>
      %sub3A_139 = vector.broadcast %get3A_3 : vector<1x128xf32> to vector<8x128xf32>
      %sub3A_140 = arith.subf %get3A_138, %sub3A_139 : vector<8x128xf32>
      %exp3A_141 = math.exp %sub3A_140 : vector<8x128xf32>
      %lt3A_142 = arith.cmpi slt, %add3A_133, %sub3A_5 : i32
      %jit3A_143 = arith.constant 0.000000e+00 : f32
      %broadcast_in_dim3A_144 = vector.broadcast %jit3A_143 : f32 to vector<8x128xf32>
      %select_n3A_145 = arith.select %lt3A_142, %exp3A_141, %broadcast_in_dim3A_144 : vector<8x128xf32>
      %add3A_146 = arith.addf %add3A_129, %select_n3A_145 : vector<8x128xf32>
      %mul3A_147 = arith.constant 13 : i32
      %mul3A_148 = arith.muli %scan3A_30, %mul3A_147 : i32
      %add3A_149 = arith.constant 7 : i32
      %add3A_150 = arith.addi %mul3A_148, %add3A_149 : i32
      %mul3A_151 = arith.constant 8 : i32
      %mul3A_152 = arith.muli %add3A_150, %mul3A_151 : i32
      %get3A_153 = arith.index_cast %mul3A_152 : i32 to index
      %get3A_154 = arith.constant 0 : index
      %get3A_155 = vector.load %arg1[%get3A_153, %get3A_154] : memref<7696x128xf32, #tpu.memory_space<vmem>>, vector<8x128xf32>
      %sub3A_156 = vector.broadcast %get3A_3 : vector<1x128xf32> to vector<8x128xf32>
      %sub3A_157 = arith.subf %get3A_155, %sub3A_156 : vector<8x128xf32>
      %exp3A_158 = math.exp %sub3A_157 : vector<8x128xf32>
      %lt3A_159 = arith.cmpi slt, %add3A_150, %sub3A_5 : i32
      %jit3A_160 = arith.constant 0.000000e+00 : f32
      %broadcast_in_dim3A_161 = vector.broadcast %jit3A_160 : f32 to vector<8x128xf32>
      %select_n3A_162 = arith.select %lt3A_159, %exp3A_158, %broadcast_in_dim3A_161 : vector<8x128xf32>
      %add3A_163 = arith.addf %add3A_146, %select_n3A_162 : vector<8x128xf32>
      %mul3A_164 = arith.constant 13 : i32
      %mul3A_165 = arith.muli %scan3A_30, %mul3A_164 : i32
      %add3A_166 = arith.constant 8 : i32
      %add3A_167 = arith.addi %mul3A_165, %add3A_166 : i32
      %mul3A_168 = arith.constant 8 : i32
      %mul3A_169 = arith.muli %add3A_167, %mul3A_168 : i32
      %get3A_170 = arith.index_cast %mul3A_169 : i32 to index
      %get3A_171 = arith.constant 0 : index
      %get3A_172 = vector.load %arg1[%get3A_170, %get3A_171] : memref<7696x128xf32, #tpu.memory_space<vmem>>, vector<8x128xf32>
      %sub3A_173 = vector.broadcast %get3A_3 : vector<1x128xf32> to vector<8x128xf32>
      %sub3A_174 = arith.subf %get3A_172, %sub3A_173 : vector<8x128xf32>
      %exp3A_175 = math.exp %sub3A_174 : vector<8x128xf32>
      %lt3A_176 = arith.cmpi slt, %add3A_167, %sub3A_5 : i32
      %jit3A_177 = arith.constant 0.000000e+00 : f32
      %broadcast_in_dim3A_178 = vector.broadcast %jit3A_177 : f32 to vector<8x128xf32>
      %select_n3A_179 = arith.select %lt3A_176, %exp3A_175, %broadcast_in_dim3A_178 : vector<8x128xf32>
      %add3A_180 = arith.addf %add3A_163, %select_n3A_179 : vector<8x128xf32>
      %mul3A_181 = arith.constant 13 : i32
      %mul3A_182 = arith.muli %scan3A_30, %mul3A_181 : i32
      %add3A_183 = arith.constant 9 : i32
      %add3A_184 = arith.addi %mul3A_182, %add3A_183 : i32
      %mul3A_185 = arith.constant 8 : i32
      %mul3A_186 = arith.muli %add3A_184, %mul3A_185 : i32
      %get3A_187 = arith.index_cast %mul3A_186 : i32 to index
      %get3A_188 = arith.constant 0 : index
      %get3A_189 = vector.load %arg1[%get3A_187, %get3A_188] : memref<7696x128xf32, #tpu.memory_space<vmem>>, vector<8x128xf32>
      %sub3A_190 = vector.broadcast %get3A_3 : vector<1x128xf32> to vector<8x128xf32>
      %sub3A_191 = arith.subf %get3A_189, %sub3A_190 : vector<8x128xf32>
      %exp3A_192 = math.exp %sub3A_191 : vector<8x128xf32>
      %lt3A_193 = arith.cmpi slt, %add3A_184, %sub3A_5 : i32
      %jit3A_194 = arith.constant 0.000000e+00 : f32
      %broadcast_in_dim3A_195 = vector.broadcast %jit3A_194 : f32 to vector<8x128xf32>
      %select_n3A_196 = arith.select %lt3A_193, %exp3A_192, %broadcast_in_dim3A_195 : vector<8x128xf32>
      %add3A_197 = arith.addf %add3A_180, %select_n3A_196 : vector<8x128xf32>
      %mul3A_198 = arith.constant 13 : i32
      %mul3A_199 = arith.muli %scan3A_30, %mul3A_198 : i32
      %add3A_200 = arith.constant 10 : i32
      %add3A_201 = arith.addi %mul3A_199, %add3A_200 : i32
      %mul3A_202 = arith.constant 8 : i32
      %mul3A_203 = arith.muli %add3A_201, %mul3A_202 : i32
      %get3A_204 = arith.index_cast %mul3A_203 : i32 to index
      %get3A_205 = arith.constant 0 : index
      %get3A_206 = vector.load %arg1[%get3A_204, %get3A_205] : memref<7696x128xf32, #tpu.memory_space<vmem>>, vector<8x128xf32>
      %sub3A_207 = vector.broadcast %get3A_3 : vector<1x128xf32> to vector<8x128xf32>
      %sub3A_208 = arith.subf %get3A_206, %sub3A_207 : vector<8x128xf32>
      %exp3A_209 = math.exp %sub3A_208 : vector<8x128xf32>
      %lt3A_210 = arith.cmpi slt, %add3A_201, %sub3A_5 : i32
      %jit3A_211 = arith.constant 0.000000e+00 : f32
      %broadcast_in_dim3A_212 = vector.broadcast %jit3A_211 : f32 to vector<8x128xf32>
      %select_n3A_213 = arith.select %lt3A_210, %exp3A_209, %broadcast_in_dim3A_212 : vector<8x128xf32>
      %add3A_214 = arith.addf %add3A_197, %select_n3A_213 : vector<8x128xf32>
      %mul3A_215 = arith.constant 13 : i32
      %mul3A_216 = arith.muli %scan3A_30, %mul3A_215 : i32
      %add3A_217 = arith.constant 11 : i32
      %add3A_218 = arith.addi %mul3A_216, %add3A_217 : i32
      %mul3A_219 = arith.constant 8 : i32
      %mul3A_220 = arith.muli %add3A_218, %mul3A_219 : i32
      %get3A_221 = arith.index_cast %mul3A_220 : i32 to index
      %get3A_222 = arith.constant 0 : index
      %get3A_223 = vector.load %arg1[%get3A_221, %get3A_222] : memref<7696x128xf32, #tpu.memory_space<vmem>>, vector<8x128xf32>
      %sub3A_224 = vector.broadcast %get3A_3 : vector<1x128xf32> to vector<8x128xf32>
      %sub3A_225 = arith.subf %get3A_223, %sub3A_224 : vector<8x128xf32>
      %exp3A_226 = math.exp %sub3A_225 : vector<8x128xf32>
      %lt3A_227 = arith.cmpi slt, %add3A_218, %sub3A_5 : i32
      %jit3A_228 = arith.constant 0.000000e+00 : f32
      %broadcast_in_dim3A_229 = vector.broadcast %jit3A_228 : f32 to vector<8x128xf32>
      %select_n3A_230 = arith.select %lt3A_227, %exp3A_226, %broadcast_in_dim3A_229 : vector<8x128xf32>
      %add3A_231 = arith.addf %add3A_214, %select_n3A_230 : vector<8x128xf32>
      %mul3A_232 = arith.constant 13 : i32
      %mul3A_233 = arith.muli %scan3A_30, %mul3A_232 : i32
      %add3A_234 = arith.constant 12 : i32
      %add3A_235 = arith.addi %mul3A_233, %add3A_234 : i32
      %mul3A_236 = arith.constant 8 : i32
      %mul3A_237 = arith.muli %add3A_235, %mul3A_236 : i32
      %get3A_238 = arith.index_cast %mul3A_237 : i32 to index
      %get3A_239 = arith.constant 0 : index
      %get3A_240 = vector.load %arg1[%get3A_238, %get3A_239] : memref<7696x128xf32, #tpu.memory_space<vmem>>, vector<8x128xf32>
      %sub3A_241 = vector.broadcast %get3A_3 : vector<1x128xf32> to vector<8x128xf32>
      %sub3A_242 = arith.subf %get3A_240, %sub3A_241 : vector<8x128xf32>
      %exp3A_243 = math.exp %sub3A_242 : vector<8x128xf32>
      %lt3A_244 = arith.cmpi slt, %add3A_235, %sub3A_5 : i32
      %jit3A_245 = arith.constant 0.000000e+00 : f32
      %broadcast_in_dim3A_246 = vector.broadcast %jit3A_245 : f32 to vector<8x128xf32>
      %select_n3A_247 = arith.select %lt3A_244, %exp3A_243, %broadcast_in_dim3A_246 : vector<8x128xf32>
      %add3A_248 = arith.addf %add3A_231, %select_n3A_247 : vector<8x128xf32>
      scf.yield %add3A_248 : vector<8x128xf32>
    }
    %scan3A_11 = arith.constant 74 : i32
    %slice3A = vector.extract_strided_slice %scan3A_10 {offsets = [0, 0], sizes = [4, 128], strides = [1, 1]} : vector<8x128xf32> to vector<4x128xf32>
    %slice3A_12 = vector.extract_strided_slice %scan3A_10 {offsets = [4, 0], sizes = [4, 128], strides = [1, 1]} : vector<8x128xf32> to vector<4x128xf32>
    %add3A = arith.addf %slice3A, %slice3A_12 : vector<4x128xf32>
    %slice3A_13 = vector.extract_strided_slice %add3A {offsets = [0, 0], sizes = [2, 128], strides = [1, 1]} : vector<4x128xf32> to vector<2x128xf32>
    %slice3A_14 = vector.extract_strided_slice %add3A {offsets = [2, 0], sizes = [2, 128], strides = [1, 1]} : vector<4x128xf32> to vector<2x128xf32>
    %add3A_15 = arith.addf %slice3A_13, %slice3A_14 : vector<2x128xf32>
    %slice3A_16 = vector.extract_strided_slice %add3A_15 {offsets = [0, 0], sizes = [1, 128], strides = [1, 1]} : vector<2x128xf32> to vector<1x128xf32>
    %slice3A_17 = vector.extract_strided_slice %add3A_15 {offsets = [1, 0], sizes = [1, 128], strides = [1, 1]} : vector<2x128xf32> to vector<1x128xf32>
    %add3A_18 = arith.addf %slice3A_16, %slice3A_17 : vector<1x128xf32>
    %get3A_19 = arith.constant 0 : index
    %get3A_20 = arith.constant 0 : index
    %get3A_21 = vector.load %arg4[%get3A_19, %get3A_20] : memref<1x128xf32, #tpu.memory_space<vmem>>, vector<1x128xf32>
    %add3A_22 = arith.addf %get3A_21, %add3A_18 : vector<1x128xf32>
    %swap3A = arith.constant 0 : index
    %swap3A_23 = arith.constant 0 : index
    %swap3A_24 = vector.load %arg4[%swap3A, %swap3A_23] : memref<1x128xf32, #tpu.memory_space<vmem>>, vector<1x128xf32>
    tpu.vector_store %arg4[%swap3A, %swap3A_23], %add3A_22 {strides = array<i32>} : memref<1x128xf32, #tpu.memory_space<vmem>>, vector<1x128xf32>,
    %eq3A_25 = arith.constant 12 : i32
    %eq3A_26 = arith.cmpi eq, %arg0, %eq3A_25 : i32
    %convert_element_type3A_27 = arith.extui %eq3A_26 : i1 to i32
    %cond3A_28 = arith.constant 0 : i32
    %cond3A_29 = arith.cmpi ne, %convert_element_type3A_27, %cond3A_28 : i32
    scf.if %cond3A_29 {
      %get3A_30 = arith.constant 0 : index
      %get3A_31 = arith.constant 0 : index
      %get3A_32 = vector.load %arg4[%get3A_30, %get3A_31] : memref<1x128xf32, #tpu.memory_space<vmem>>, vector<1x128xf32>
      %swap3A_33 = arith.constant 0 : index
      %swap3A_34 = arith.constant 0 : index
      %swap3A_35 = vector.load %arg3[%swap3A_33, %swap3A_34] : memref<1x128xf32, #tpu.memory_space<vmem>>, vector<1x128xf32>
      tpu.vector_store %arg3[%swap3A_33, %swap3A_34], %get3A_32 {strides = array<i32>} : memref<1x128xf32, #tpu.memory_space<vmem>>, vector<1x128xf32>,
    } else {
    }
    return
  }
  func.func @transform_0(%arg0: i32) -> (i32, i32) {
    %c0_i32 = arith.constant 0 : i32
    %c0_i32_0 = arith.constant 0 : i32
    return %arg0, %c0_i32 : i32, i32
  }
  func.func @transform_1(%arg0: i32) -> (i32, i32) {
    %c0_i32 = arith.constant 0 : i32
    %c0_i32_0 = arith.constant 0 : i32
    %c0_i32_1 = arith.constant 0 : i32
    return %c0_i32, %c0_i32_0 : i32, i32
  }
  func.func @transform_2(%arg0: i32) -> (i32, i32) {
    %c0_i32 = arith.constant 0 : i32
    %c0_i32_0 = arith.constant 0 : i32
    %c0_i32_1 = arith.constant 0 : i32
    return %c0_i32, %c0_i32_0 : i32, i32
  }
}

module attributes {stable_mosaic.version = 14 : i64} {
  func.func @_max_body(%arg0: i32, %arg1: memref<7696x128xf32, #tpu.memory_space<vmem>>, %arg2: memref<1x128xf32, #tpu.memory_space<vmem>>, %arg3: memref<8x128xf32, #tpu.memory_space<vmem>>) attributes {dimension_semantics = [#tpu.dimension_semantics<arbitrary>], iteration_bounds = array<i64: 13>, scalar_prefetch = 0 : i64, scratch_operands = 1 : i64, tpu.core_type = #tpu.core_type<tc>, window_params = [{transform_indices = @transform_0, window_bounds = array<i64: 7696, 128>}, {pipeline_mode = #tpu.pipeline_mode<synchronous>, transform_indices = @transform_1, window_bounds = array<i64: 1, 128>}]} {
    %eq3A = arith.constant 0 : i32
    %eq3A_0 = arith.cmpi eq, %arg0, %eq3A : i32
    %convert_element_type3A = arith.extui %eq3A_0 : i1 to i32
    %cond3A = arith.constant 0 : i32
    %cond3A_1 = arith.cmpi ne, %convert_element_type3A, %cond3A : i32
    scf.if %cond3A_1 {
      %broadcast_in_dim3A = arith.constant 0xFF800000 : f32
      %broadcast_in_dim3A_18 = vector.broadcast %broadcast_in_dim3A : f32 to vector<8x128xf32>
      %swap3A_19 = arith.constant 0 : index
      %swap3A_20 = arith.constant 0 : index
      %swap3A_21 = vector.load %arg3[%swap3A_19, %swap3A_20] : memref<8x128xf32, #tpu.memory_space<vmem>>, vector<8x128xf32>
      tpu.vector_store %arg3[%swap3A_19, %swap3A_20], %broadcast_in_dim3A_18 {strides = array<i32>} : memref<8x128xf32, #tpu.memory_space<vmem>>, vector<8x128xf32>,
    } else {
    }
    %mul3A = arith.constant 962 : i32
    %mul3A_2 = arith.muli %mul3A, %arg0 : i32
    %sub3A = arith.constant 12500 : i32
    %sub3A_3 = arith.subi %sub3A, %mul3A_2 : i32
    %get3A = arith.constant 0 : index
    %get3A_4 = arith.constant 0 : index
    %get3A_5 = vector.load %arg3[%get3A, %get3A_4] : memref<8x128xf32, #tpu.memory_space<vmem>>, vector<8x128xf32>
    %scan3A = arith.constant 0 : i32
    %scan3A_6 = arith.constant 74 : i32
    %scan3A_7 = arith.addi %scan3A, %scan3A_6 : i32
    %scan3A_8 = arith.constant 1 : i32
    %scan3A_9 = scf.for %scan3A_18 = %scan3A to %scan3A_7 step %scan3A_8 iter_args(%scan3A_19 = %get3A_5) -> (vector<8x128xf32>)  : i32 {
      %mul3A_20 = arith.constant 13 : i32
      %mul3A_21 = arith.muli %scan3A_18, %mul3A_20 : i32
      %add3A = arith.constant 0 : i32
      %add3A_22 = arith.addi %mul3A_21, %add3A : i32
      %mul3A_23 = arith.constant 8 : i32
      %mul3A_24 = arith.muli %add3A_22, %mul3A_23 : i32
      %get3A_25 = arith.index_cast %mul3A_24 : i32 to index
      %get3A_26 = arith.constant 0 : index
      %get3A_27 = vector.load %arg1[%get3A_25, %get3A_26] : memref<7696x128xf32, #tpu.memory_space<vmem>>, vector<8x128xf32>
      %lt3A = arith.cmpi slt, %add3A_22, %sub3A_3 : i32
      %jit3A = arith.constant 0xFF800000 : f32
      %broadcast_in_dim3A = vector.broadcast %jit3A : f32 to vector<8x128xf32>
      %select_n3A = arith.select %lt3A, %get3A_27, %broadcast_in_dim3A : vector<8x128xf32>
      %max3A = arith.maximumf %scan3A_19, %select_n3A : vector<8x128xf32>
      %mul3A_28 = arith.constant 13 : i32
      %mul3A_29 = arith.muli %scan3A_18, %mul3A_28 : i32
      %add3A_30 = arith.constant 1 : i32
      %add3A_31 = arith.addi %mul3A_29, %add3A_30 : i32
      %mul3A_32 = arith.constant 8 : i32
      %mul3A_33 = arith.muli %add3A_31, %mul3A_32 : i32
      %get3A_34 = arith.index_cast %mul3A_33 : i32 to index
      %get3A_35 = arith.constant 0 : index
      %get3A_36 = vector.load %arg1[%get3A_34, %get3A_35] : memref<7696x128xf32, #tpu.memory_space<vmem>>, vector<8x128xf32>
      %lt3A_37 = arith.cmpi slt, %add3A_31, %sub3A_3 : i32
      %jit3A_38 = arith.constant 0xFF800000 : f32
      %broadcast_in_dim3A_39 = vector.broadcast %jit3A_38 : f32 to vector<8x128xf32>
      %select_n3A_40 = arith.select %lt3A_37, %get3A_36, %broadcast_in_dim3A_39 : vector<8x128xf32>
      %max3A_41 = arith.maximumf %max3A, %select_n3A_40 : vector<8x128xf32>
      %mul3A_42 = arith.constant 13 : i32
      %mul3A_43 = arith.muli %scan3A_18, %mul3A_42 : i32
      %add3A_44 = arith.constant 2 : i32
      %add3A_45 = arith.addi %mul3A_43, %add3A_44 : i32
      %mul3A_46 = arith.constant 8 : i32
      %mul3A_47 = arith.muli %add3A_45, %mul3A_46 : i32
      %get3A_48 = arith.index_cast %mul3A_47 : i32 to index
      %get3A_49 = arith.constant 0 : index
      %get3A_50 = vector.load %arg1[%get3A_48, %get3A_49] : memref<7696x128xf32, #tpu.memory_space<vmem>>, vector<8x128xf32>
      %lt3A_51 = arith.cmpi slt, %add3A_45, %sub3A_3 : i32
      %jit3A_52 = arith.constant 0xFF800000 : f32
      %broadcast_in_dim3A_53 = vector.broadcast %jit3A_52 : f32 to vector<8x128xf32>
      %select_n3A_54 = arith.select %lt3A_51, %get3A_50, %broadcast_in_dim3A_53 : vector<8x128xf32>
      %max3A_55 = arith.maximumf %max3A_41, %select_n3A_54 : vector<8x128xf32>
      %mul3A_56 = arith.constant 13 : i32
      %mul3A_57 = arith.muli %scan3A_18, %mul3A_56 : i32
      %add3A_58 = arith.constant 3 : i32
      %add3A_59 = arith.addi %mul3A_57, %add3A_58 : i32
      %mul3A_60 = arith.constant 8 : i32
      %mul3A_61 = arith.muli %add3A_59, %mul3A_60 : i32
      %get3A_62 = arith.index_cast %mul3A_61 : i32 to index
      %get3A_63 = arith.constant 0 : index
      %get3A_64 = vector.load %arg1[%get3A_62, %get3A_63] : memref<7696x128xf32, #tpu.memory_space<vmem>>, vector<8x128xf32>
      %lt3A_65 = arith.cmpi slt, %add3A_59, %sub3A_3 : i32
      %jit3A_66 = arith.constant 0xFF800000 : f32
      %broadcast_in_dim3A_67 = vector.broadcast %jit3A_66 : f32 to vector<8x128xf32>
      %select_n3A_68 = arith.select %lt3A_65, %get3A_64, %broadcast_in_dim3A_67 : vector<8x128xf32>
      %max3A_69 = arith.maximumf %max3A_55, %select_n3A_68 : vector<8x128xf32>
      %mul3A_70 = arith.constant 13 : i32
      %mul3A_71 = arith.muli %scan3A_18, %mul3A_70 : i32
      %add3A_72 = arith.constant 4 : i32
      %add3A_73 = arith.addi %mul3A_71, %add3A_72 : i32
      %mul3A_74 = arith.constant 8 : i32
      %mul3A_75 = arith.muli %add3A_73, %mul3A_74 : i32
      %get3A_76 = arith.index_cast %mul3A_75 : i32 to index
      %get3A_77 = arith.constant 0 : index
      %get3A_78 = vector.load %arg1[%get3A_76, %get3A_77] : memref<7696x128xf32, #tpu.memory_space<vmem>>, vector<8x128xf32>
      %lt3A_79 = arith.cmpi slt, %add3A_73, %sub3A_3 : i32
      %jit3A_80 = arith.constant 0xFF800000 : f32
      %broadcast_in_dim3A_81 = vector.broadcast %jit3A_80 : f32 to vector<8x128xf32>
      %select_n3A_82 = arith.select %lt3A_79, %get3A_78, %broadcast_in_dim3A_81 : vector<8x128xf32>
      %max3A_83 = arith.maximumf %max3A_69, %select_n3A_82 : vector<8x128xf32>
      %mul3A_84 = arith.constant 13 : i32
      %mul3A_85 = arith.muli %scan3A_18, %mul3A_84 : i32
      %add3A_86 = arith.constant 5 : i32
      %add3A_87 = arith.addi %mul3A_85, %add3A_86 : i32
      %mul3A_88 = arith.constant 8 : i32
      %mul3A_89 = arith.muli %add3A_87, %mul3A_88 : i32
      %get3A_90 = arith.index_cast %mul3A_89 : i32 to index
      %get3A_91 = arith.constant 0 : index
      %get3A_92 = vector.load %arg1[%get3A_90, %get3A_91] : memref<7696x128xf32, #tpu.memory_space<vmem>>, vector<8x128xf32>
      %lt3A_93 = arith.cmpi slt, %add3A_87, %sub3A_3 : i32
      %jit3A_94 = arith.constant 0xFF800000 : f32
      %broadcast_in_dim3A_95 = vector.broadcast %jit3A_94 : f32 to vector<8x128xf32>
      %select_n3A_96 = arith.select %lt3A_93, %get3A_92, %broadcast_in_dim3A_95 : vector<8x128xf32>
      %max3A_97 = arith.maximumf %max3A_83, %select_n3A_96 : vector<8x128xf32>
      %mul3A_98 = arith.constant 13 : i32
      %mul3A_99 = arith.muli %scan3A_18, %mul3A_98 : i32
      %add3A_100 = arith.constant 6 : i32
      %add3A_101 = arith.addi %mul3A_99, %add3A_100 : i32
      %mul3A_102 = arith.constant 8 : i32
      %mul3A_103 = arith.muli %add3A_101, %mul3A_102 : i32
      %get3A_104 = arith.index_cast %mul3A_103 : i32 to index
      %get3A_105 = arith.constant 0 : index
      %get3A_106 = vector.load %arg1[%get3A_104, %get3A_105] : memref<7696x128xf32, #tpu.memory_space<vmem>>, vector<8x128xf32>
      %lt3A_107 = arith.cmpi slt, %add3A_101, %sub3A_3 : i32
      %jit3A_108 = arith.constant 0xFF800000 : f32
      %broadcast_in_dim3A_109 = vector.broadcast %jit3A_108 : f32 to vector<8x128xf32>
      %select_n3A_110 = arith.select %lt3A_107, %get3A_106, %broadcast_in_dim3A_109 : vector<8x128xf32>
      %max3A_111 = arith.maximumf %max3A_97, %select_n3A_110 : vector<8x128xf32>
      %mul3A_112 = arith.constant 13 : i32
      %mul3A_113 = arith.muli %scan3A_18, %mul3A_112 : i32
      %add3A_114 = arith.constant 7 : i32
      %add3A_115 = arith.addi %mul3A_113, %add3A_114 : i32
      %mul3A_116 = arith.constant 8 : i32
      %mul3A_117 = arith.muli %add3A_115, %mul3A_116 : i32
      %get3A_118 = arith.index_cast %mul3A_117 : i32 to index
      %get3A_119 = arith.constant 0 : index
      %get3A_120 = vector.load %arg1[%get3A_118, %get3A_119] : memref<7696x128xf32, #tpu.memory_space<vmem>>, vector<8x128xf32>
      %lt3A_121 = arith.cmpi slt, %add3A_115, %sub3A_3 : i32
      %jit3A_122 = arith.constant 0xFF800000 : f32
      %broadcast_in_dim3A_123 = vector.broadcast %jit3A_122 : f32 to vector<8x128xf32>
      %select_n3A_124 = arith.select %lt3A_121, %get3A_120, %broadcast_in_dim3A_123 : vector<8x128xf32>
      %max3A_125 = arith.maximumf %max3A_111, %select_n3A_124 : vector<8x128xf32>
      %mul3A_126 = arith.constant 13 : i32
      %mul3A_127 = arith.muli %scan3A_18, %mul3A_126 : i32
      %add3A_128 = arith.constant 8 : i32
      %add3A_129 = arith.addi %mul3A_127, %add3A_128 : i32
      %mul3A_130 = arith.constant 8 : i32
      %mul3A_131 = arith.muli %add3A_129, %mul3A_130 : i32
      %get3A_132 = arith.index_cast %mul3A_131 : i32 to index
      %get3A_133 = arith.constant 0 : index
      %get3A_134 = vector.load %arg1[%get3A_132, %get3A_133] : memref<7696x128xf32, #tpu.memory_space<vmem>>, vector<8x128xf32>
      %lt3A_135 = arith.cmpi slt, %add3A_129, %sub3A_3 : i32
      %jit3A_136 = arith.constant 0xFF800000 : f32
      %broadcast_in_dim3A_137 = vector.broadcast %jit3A_136 : f32 to vector<8x128xf32>
      %select_n3A_138 = arith.select %lt3A_135, %get3A_134, %broadcast_in_dim3A_137 : vector<8x128xf32>
      %max3A_139 = arith.maximumf %max3A_125, %select_n3A_138 : vector<8x128xf32>
      %mul3A_140 = arith.constant 13 : i32
      %mul3A_141 = arith.muli %scan3A_18, %mul3A_140 : i32
      %add3A_142 = arith.constant 9 : i32
      %add3A_143 = arith.addi %mul3A_141, %add3A_142 : i32
      %mul3A_144 = arith.constant 8 : i32
      %mul3A_145 = arith.muli %add3A_143, %mul3A_144 : i32
      %get3A_146 = arith.index_cast %mul3A_145 : i32 to index
      %get3A_147 = arith.constant 0 : index
      %get3A_148 = vector.load %arg1[%get3A_146, %get3A_147] : memref<7696x128xf32, #tpu.memory_space<vmem>>, vector<8x128xf32>
      %lt3A_149 = arith.cmpi slt, %add3A_143, %sub3A_3 : i32
      %jit3A_150 = arith.constant 0xFF800000 : f32
      %broadcast_in_dim3A_151 = vector.broadcast %jit3A_150 : f32 to vector<8x128xf32>
      %select_n3A_152 = arith.select %lt3A_149, %get3A_148, %broadcast_in_dim3A_151 : vector<8x128xf32>
      %max3A_153 = arith.maximumf %max3A_139, %select_n3A_152 : vector<8x128xf32>
      %mul3A_154 = arith.constant 13 : i32
      %mul3A_155 = arith.muli %scan3A_18, %mul3A_154 : i32
      %add3A_156 = arith.constant 10 : i32
      %add3A_157 = arith.addi %mul3A_155, %add3A_156 : i32
      %mul3A_158 = arith.constant 8 : i32
      %mul3A_159 = arith.muli %add3A_157, %mul3A_158 : i32
      %get3A_160 = arith.index_cast %mul3A_159 : i32 to index
      %get3A_161 = arith.constant 0 : index
      %get3A_162 = vector.load %arg1[%get3A_160, %get3A_161] : memref<7696x128xf32, #tpu.memory_space<vmem>>, vector<8x128xf32>
      %lt3A_163 = arith.cmpi slt, %add3A_157, %sub3A_3 : i32
      %jit3A_164 = arith.constant 0xFF800000 : f32
      %broadcast_in_dim3A_165 = vector.broadcast %jit3A_164 : f32 to vector<8x128xf32>
      %select_n3A_166 = arith.select %lt3A_163, %get3A_162, %broadcast_in_dim3A_165 : vector<8x128xf32>
      %max3A_167 = arith.maximumf %max3A_153, %select_n3A_166 : vector<8x128xf32>
      %mul3A_168 = arith.constant 13 : i32
      %mul3A_169 = arith.muli %scan3A_18, %mul3A_168 : i32
      %add3A_170 = arith.constant 11 : i32
      %add3A_171 = arith.addi %mul3A_169, %add3A_170 : i32
      %mul3A_172 = arith.constant 8 : i32
      %mul3A_173 = arith.muli %add3A_171, %mul3A_172 : i32
      %get3A_174 = arith.index_cast %mul3A_173 : i32 to index
      %get3A_175 = arith.constant 0 : index
      %get3A_176 = vector.load %arg1[%get3A_174, %get3A_175] : memref<7696x128xf32, #tpu.memory_space<vmem>>, vector<8x128xf32>
      %lt3A_177 = arith.cmpi slt, %add3A_171, %sub3A_3 : i32
      %jit3A_178 = arith.constant 0xFF800000 : f32
      %broadcast_in_dim3A_179 = vector.broadcast %jit3A_178 : f32 to vector<8x128xf32>
      %select_n3A_180 = arith.select %lt3A_177, %get3A_176, %broadcast_in_dim3A_179 : vector<8x128xf32>
      %max3A_181 = arith.maximumf %max3A_167, %select_n3A_180 : vector<8x128xf32>
      %mul3A_182 = arith.constant 13 : i32
      %mul3A_183 = arith.muli %scan3A_18, %mul3A_182 : i32
      %add3A_184 = arith.constant 12 : i32
      %add3A_185 = arith.addi %mul3A_183, %add3A_184 : i32
      %mul3A_186 = arith.constant 8 : i32
      %mul3A_187 = arith.muli %add3A_185, %mul3A_186 : i32
      %get3A_188 = arith.index_cast %mul3A_187 : i32 to index
      %get3A_189 = arith.constant 0 : index
      %get3A_190 = vector.load %arg1[%get3A_188, %get3A_189] : memref<7696x128xf32, #tpu.memory_space<vmem>>, vector<8x128xf32>
      %lt3A_191 = arith.cmpi slt, %add3A_185, %sub3A_3 : i32
      %jit3A_192 = arith.constant 0xFF800000 : f32
      %broadcast_in_dim3A_193 = vector.broadcast %jit3A_192 : f32 to vector<8x128xf32>
      %select_n3A_194 = arith.select %lt3A_191, %get3A_190, %broadcast_in_dim3A_193 : vector<8x128xf32>
      %max3A_195 = arith.maximumf %max3A_181, %select_n3A_194 : vector<8x128xf32>
      scf.yield %max3A_195 : vector<8x128xf32>
    }
    %scan3A_10 = arith.constant 74 : i32
    %swap3A = arith.constant 0 : index
    %swap3A_11 = arith.constant 0 : index
    %swap3A_12 = vector.load %arg3[%swap3A, %swap3A_11] : memref<8x128xf32, #tpu.memory_space<vmem>>, vector<8x128xf32>
    tpu.vector_store %arg3[%swap3A, %swap3A_11], %scan3A_9 {strides = array<i32>} : memref<8x128xf32, #tpu.memory_space<vmem>>, vector<8x128xf32>,
    %eq3A_13 = arith.constant 12 : i32
    %eq3A_14 = arith.cmpi eq, %arg0, %eq3A_13 : i32
    %convert_element_type3A_15 = arith.extui %eq3A_14 : i1 to i32
    %cond3A_16 = arith.constant 0 : i32
    %cond3A_17 = arith.cmpi ne, %convert_element_type3A_15, %cond3A_16 : i32
    scf.if %cond3A_17 {
      %get3A_18 = arith.constant 0 : index
      %get3A_19 = arith.constant 0 : index
      %get3A_20 = vector.load %arg3[%get3A_18, %get3A_19] : memref<8x128xf32, #tpu.memory_space<vmem>>, vector<8x128xf32>
      %reduce_max3A = arith.constant dense<0xFF800000> : vector<128xf32>
      %reduce_max3A_21 = vector.multi_reduction <maximumf>, %get3A_20, %reduce_max3A [0] : vector<8x128xf32> to vector<128xf32>
      %broadcast_in_dim3A = vector.shape_cast %reduce_max3A_21 : vector<128xf32> to vector<1x128xf32>
      %swap3A_22 = arith.constant 0 : index
      %swap3A_23 = arith.constant 0 : index
      %swap3A_24 = vector.load %arg2[%swap3A_22, %swap3A_23] : memref<1x128xf32, #tpu.memory_space<vmem>>, vector<1x128xf32>
      tpu.vector_store %arg2[%swap3A_22, %swap3A_23], %broadcast_in_dim3A {strides = array<i32>} : memref<1x128xf32, #tpu.memory_space<vmem>>, vector<1x128xf32>,
    } else {
    }
    return
  }
  func.func @transform_0(%arg0: i32) -> (i32, i32) {
    %c0_i32 = arith.constant 0 : i32
    %c0_i32_0 = arith.constant 0 : i32
    return %arg0, %c0_i32 : i32, i32
  }
  func.func @transform_1(%arg0: i32) -> (i32, i32) {
    %c0_i32 = arith.constant 0 : i32
    %c0_i32_0 = arith.constant 0 : i32
    %c0_i32_1 = arith.constant 0 : i32
    return %c0_i32, %c0_i32_0 : i32, i32
  }
}

module attributes {stable_mosaic.version = 14 : i64} {
  func.func @_t_body(%arg0: i32, %arg1: memref<128x32x782xf32, #tpu.memory_space<vmem>>, %arg2: memref<32x1xf32, #tpu.memory_space<vmem>>, %arg3: memref<32x1xf32, #tpu.memory_space<vmem>>, %arg4: memref<32x782xf32, #tpu.memory_space<vmem>>) attributes {dimension_semantics = [#tpu.dimension_semantics<arbitrary>], iteration_bounds = array<i64: 4>, scalar_prefetch = 0 : i64, scratch_operands = 0 : i64, tpu.core_type = #tpu.core_type<tc>, window_params = [{transform_indices = @transform_0, window_bounds = array<i64: 128, 32, 782>}, {transform_indices = @transform_1, window_bounds = array<i64: 32, 1>}, {transform_indices = @transform_2, window_bounds = array<i64: 32, 1>}, {transform_indices = @transform_3, window_bounds = array<i64: 32, 782>}]} {
    %get3A = arith.constant 0 : index
    %get3A_0 = arith.constant 0 : index
    %get3A_1 = vector.load %arg2[%get3A, %get3A_0] : memref<32x1xf32, #tpu.memory_space<vmem>>, vector<32x1xf32>
    %get3A_2 = arith.constant 0 : index
    %get3A_3 = arith.constant 0 : index
    %get3A_4 = vector.load %arg3[%get3A_2, %get3A_3] : memref<32x1xf32, #tpu.memory_space<vmem>>, vector<32x1xf32>
    %broadcast_in_dim3A = arith.constant 0.000000e+00 : f32
    %broadcast_in_dim3A_5 = vector.broadcast %broadcast_in_dim3A : f32 to vector<32x782xf32>
    %scan3A = arith.constant 0 : i32
    %scan3A_6 = arith.constant 8 : i32
    %scan3A_7 = arith.addi %scan3A, %scan3A_6 : i32
    %scan3A_8 = arith.constant 1 : i32
    %scan3A_9 = scf.for %scan3A_13 = %scan3A to %scan3A_7 step %scan3A_8 iter_args(%scan3A_14 = %broadcast_in_dim3A_5) -> (vector<32x782xf32>)  : i32 {
      %mul3A = arith.constant 16 : i32
      %mul3A_15 = arith.muli %scan3A_13, %mul3A : i32
      %add3A = arith.constant 0 : i32
      %add3A_16 = arith.addi %mul3A_15, %add3A : i32
      %get3A_17 = arith.index_cast %add3A_16 : i32 to index
      %get3A_18 = arith.constant 0 : index
      %get3A_19 = arith.constant 0 : index
      %get3A_20 = vector.load %arg1[%get3A_17, %get3A_18, %get3A_19] : memref<128x32x782xf32, #tpu.memory_space<vmem>>, vector<1x32x782xf32>
      %get3A_21 = vector.shape_cast %get3A_20 : vector<1x32x782xf32> to vector<32x782xf32>
      %sub3A = vector.broadcast %get3A_1 : vector<32x1xf32> to vector<32x782xf32>
      %sub3A_22 = arith.subf %get3A_21, %sub3A : vector<32x782xf32>
      %exp3A = math.exp %sub3A_22 : vector<32x782xf32>
      %div3A = vector.broadcast %get3A_4 : vector<32x1xf32> to vector<32x782xf32>
      %div3A_23 = arith.divf %exp3A, %div3A : vector<32x782xf32>
      %add3A_24 = arith.addf %scan3A_14, %div3A_23 : vector<32x782xf32>
      %mul3A_25 = arith.constant 16 : i32
      %mul3A_26 = arith.muli %scan3A_13, %mul3A_25 : i32
      %add3A_27 = arith.constant 1 : i32
      %add3A_28 = arith.addi %mul3A_26, %add3A_27 : i32
      %get3A_29 = arith.index_cast %add3A_28 : i32 to index
      %get3A_30 = arith.constant 0 : index
      %get3A_31 = arith.constant 0 : index
      %get3A_32 = vector.load %arg1[%get3A_29, %get3A_30, %get3A_31] : memref<128x32x782xf32, #tpu.memory_space<vmem>>, vector<1x32x782xf32>
      %get3A_33 = vector.shape_cast %get3A_32 : vector<1x32x782xf32> to vector<32x782xf32>
      %sub3A_34 = vector.broadcast %get3A_1 : vector<32x1xf32> to vector<32x782xf32>
      %sub3A_35 = arith.subf %get3A_33, %sub3A_34 : vector<32x782xf32>
      %exp3A_36 = math.exp %sub3A_35 : vector<32x782xf32>
      %div3A_37 = vector.broadcast %get3A_4 : vector<32x1xf32> to vector<32x782xf32>
      %div3A_38 = arith.divf %exp3A_36, %div3A_37 : vector<32x782xf32>
      %add3A_39 = arith.addf %add3A_24, %div3A_38 : vector<32x782xf32>
      %mul3A_40 = arith.constant 16 : i32
      %mul3A_41 = arith.muli %scan3A_13, %mul3A_40 : i32
      %add3A_42 = arith.constant 2 : i32
      %add3A_43 = arith.addi %mul3A_41, %add3A_42 : i32
      %get3A_44 = arith.index_cast %add3A_43 : i32 to index
      %get3A_45 = arith.constant 0 : index
      %get3A_46 = arith.constant 0 : index
      %get3A_47 = vector.load %arg1[%get3A_44, %get3A_45, %get3A_46] : memref<128x32x782xf32, #tpu.memory_space<vmem>>, vector<1x32x782xf32>
      %get3A_48 = vector.shape_cast %get3A_47 : vector<1x32x782xf32> to vector<32x782xf32>
      %sub3A_49 = vector.broadcast %get3A_1 : vector<32x1xf32> to vector<32x782xf32>
      %sub3A_50 = arith.subf %get3A_48, %sub3A_49 : vector<32x782xf32>
      %exp3A_51 = math.exp %sub3A_50 : vector<32x782xf32>
      %div3A_52 = vector.broadcast %get3A_4 : vector<32x1xf32> to vector<32x782xf32>
      %div3A_53 = arith.divf %exp3A_51, %div3A_52 : vector<32x782xf32>
      %add3A_54 = arith.addf %add3A_39, %div3A_53 : vector<32x782xf32>
      %mul3A_55 = arith.constant 16 : i32
      %mul3A_56 = arith.muli %scan3A_13, %mul3A_55 : i32
      %add3A_57 = arith.constant 3 : i32
      %add3A_58 = arith.addi %mul3A_56, %add3A_57 : i32
      %get3A_59 = arith.index_cast %add3A_58 : i32 to index
      %get3A_60 = arith.constant 0 : index
      %get3A_61 = arith.constant 0 : index
      %get3A_62 = vector.load %arg1[%get3A_59, %get3A_60, %get3A_61] : memref<128x32x782xf32, #tpu.memory_space<vmem>>, vector<1x32x782xf32>
      %get3A_63 = vector.shape_cast %get3A_62 : vector<1x32x782xf32> to vector<32x782xf32>
      %sub3A_64 = vector.broadcast %get3A_1 : vector<32x1xf32> to vector<32x782xf32>
      %sub3A_65 = arith.subf %get3A_63, %sub3A_64 : vector<32x782xf32>
      %exp3A_66 = math.exp %sub3A_65 : vector<32x782xf32>
      %div3A_67 = vector.broadcast %get3A_4 : vector<32x1xf32> to vector<32x782xf32>
      %div3A_68 = arith.divf %exp3A_66, %div3A_67 : vector<32x782xf32>
      %add3A_69 = arith.addf %add3A_54, %div3A_68 : vector<32x782xf32>
      %mul3A_70 = arith.constant 16 : i32
      %mul3A_71 = arith.muli %scan3A_13, %mul3A_70 : i32
      %add3A_72 = arith.constant 4 : i32
      %add3A_73 = arith.addi %mul3A_71, %add3A_72 : i32
      %get3A_74 = arith.index_cast %add3A_73 : i32 to index
      %get3A_75 = arith.constant 0 : index
      %get3A_76 = arith.constant 0 : index
      %get3A_77 = vector.load %arg1[%get3A_74, %get3A_75, %get3A_76] : memref<128x32x782xf32, #tpu.memory_space<vmem>>, vector<1x32x782xf32>
      %get3A_78 = vector.shape_cast %get3A_77 : vector<1x32x782xf32> to vector<32x782xf32>
      %sub3A_79 = vector.broadcast %get3A_1 : vector<32x1xf32> to vector<32x782xf32>
      %sub3A_80 = arith.subf %get3A_78, %sub3A_79 : vector<32x782xf32>
      %exp3A_81 = math.exp %sub3A_80 : vector<32x782xf32>
      %div3A_82 = vector.broadcast %get3A_4 : vector<32x1xf32> to vector<32x782xf32>
      %div3A_83 = arith.divf %exp3A_81, %div3A_82 : vector<32x782xf32>
      %add3A_84 = arith.addf %add3A_69, %div3A_83 : vector<32x782xf32>
      %mul3A_85 = arith.constant 16 : i32
      %mul3A_86 = arith.muli %scan3A_13, %mul3A_85 : i32
      %add3A_87 = arith.constant 5 : i32
      %add3A_88 = arith.addi %mul3A_86, %add3A_87 : i32
      %get3A_89 = arith.index_cast %add3A_88 : i32 to index
      %get3A_90 = arith.constant 0 : index
      %get3A_91 = arith.constant 0 : index
      %get3A_92 = vector.load %arg1[%get3A_89, %get3A_90, %get3A_91] : memref<128x32x782xf32, #tpu.memory_space<vmem>>, vector<1x32x782xf32>
      %get3A_93 = vector.shape_cast %get3A_92 : vector<1x32x782xf32> to vector<32x782xf32>
      %sub3A_94 = vector.broadcast %get3A_1 : vector<32x1xf32> to vector<32x782xf32>
      %sub3A_95 = arith.subf %get3A_93, %sub3A_94 : vector<32x782xf32>
      %exp3A_96 = math.exp %sub3A_95 : vector<32x782xf32>
      %div3A_97 = vector.broadcast %get3A_4 : vector<32x1xf32> to vector<32x782xf32>
      %div3A_98 = arith.divf %exp3A_96, %div3A_97 : vector<32x782xf32>
      %add3A_99 = arith.addf %add3A_84, %div3A_98 : vector<32x782xf32>
      %mul3A_100 = arith.constant 16 : i32
      %mul3A_101 = arith.muli %scan3A_13, %mul3A_100 : i32
      %add3A_102 = arith.constant 6 : i32
      %add3A_103 = arith.addi %mul3A_101, %add3A_102 : i32
      %get3A_104 = arith.index_cast %add3A_103 : i32 to index
      %get3A_105 = arith.constant 0 : index
      %get3A_106 = arith.constant 0 : index
      %get3A_107 = vector.load %arg1[%get3A_104, %get3A_105, %get3A_106] : memref<128x32x782xf32, #tpu.memory_space<vmem>>, vector<1x32x782xf32>
      %get3A_108 = vector.shape_cast %get3A_107 : vector<1x32x782xf32> to vector<32x782xf32>
      %sub3A_109 = vector.broadcast %get3A_1 : vector<32x1xf32> to vector<32x782xf32>
      %sub3A_110 = arith.subf %get3A_108, %sub3A_109 : vector<32x782xf32>
      %exp3A_111 = math.exp %sub3A_110 : vector<32x782xf32>
      %div3A_112 = vector.broadcast %get3A_4 : vector<32x1xf32> to vector<32x782xf32>
      %div3A_113 = arith.divf %exp3A_111, %div3A_112 : vector<32x782xf32>
      %add3A_114 = arith.addf %add3A_99, %div3A_113 : vector<32x782xf32>
      %mul3A_115 = arith.constant 16 : i32
      %mul3A_116 = arith.muli %scan3A_13, %mul3A_115 : i32
      %add3A_117 = arith.constant 7 : i32
      %add3A_118 = arith.addi %mul3A_116, %add3A_117 : i32
      %get3A_119 = arith.index_cast %add3A_118 : i32 to index
      %get3A_120 = arith.constant 0 : index
      %get3A_121 = arith.constant 0 : index
      %get3A_122 = vector.load %arg1[%get3A_119, %get3A_120, %get3A_121] : memref<128x32x782xf32, #tpu.memory_space<vmem>>, vector<1x32x782xf32>
      %get3A_123 = vector.shape_cast %get3A_122 : vector<1x32x782xf32> to vector<32x782xf32>
      %sub3A_124 = vector.broadcast %get3A_1 : vector<32x1xf32> to vector<32x782xf32>
      %sub3A_125 = arith.subf %get3A_123, %sub3A_124 : vector<32x782xf32>
      %exp3A_126 = math.exp %sub3A_125 : vector<32x782xf32>
      %div3A_127 = vector.broadcast %get3A_4 : vector<32x1xf32> to vector<32x782xf32>
      %div3A_128 = arith.divf %exp3A_126, %div3A_127 : vector<32x782xf32>
      %add3A_129 = arith.addf %add3A_114, %div3A_128 : vector<32x782xf32>
      %mul3A_130 = arith.constant 16 : i32
      %mul3A_131 = arith.muli %scan3A_13, %mul3A_130 : i32
      %add3A_132 = arith.constant 8 : i32
      %add3A_133 = arith.addi %mul3A_131, %add3A_132 : i32
      %get3A_134 = arith.index_cast %add3A_133 : i32 to index
      %get3A_135 = arith.constant 0 : index
      %get3A_136 = arith.constant 0 : index
      %get3A_137 = vector.load %arg1[%get3A_134, %get3A_135, %get3A_136] : memref<128x32x782xf32, #tpu.memory_space<vmem>>, vector<1x32x782xf32>
      %get3A_138 = vector.shape_cast %get3A_137 : vector<1x32x782xf32> to vector<32x782xf32>
      %sub3A_139 = vector.broadcast %get3A_1 : vector<32x1xf32> to vector<32x782xf32>
      %sub3A_140 = arith.subf %get3A_138, %sub3A_139 : vector<32x782xf32>
      %exp3A_141 = math.exp %sub3A_140 : vector<32x782xf32>
      %div3A_142 = vector.broadcast %get3A_4 : vector<32x1xf32> to vector<32x782xf32>
      %div3A_143 = arith.divf %exp3A_141, %div3A_142 : vector<32x782xf32>
      %add3A_144 = arith.addf %add3A_129, %div3A_143 : vector<32x782xf32>
      %mul3A_145 = arith.constant 16 : i32
      %mul3A_146 = arith.muli %scan3A_13, %mul3A_145 : i32
      %add3A_147 = arith.constant 9 : i32
      %add3A_148 = arith.addi %mul3A_146, %add3A_147 : i32
      %get3A_149 = arith.index_cast %add3A_148 : i32 to index
      %get3A_150 = arith.constant 0 : index
      %get3A_151 = arith.constant 0 : index
      %get3A_152 = vector.load %arg1[%get3A_149, %get3A_150, %get3A_151] : memref<128x32x782xf32, #tpu.memory_space<vmem>>, vector<1x32x782xf32>
      %get3A_153 = vector.shape_cast %get3A_152 : vector<1x32x782xf32> to vector<32x782xf32>
      %sub3A_154 = vector.broadcast %get3A_1 : vector<32x1xf32> to vector<32x782xf32>
      %sub3A_155 = arith.subf %get3A_153, %sub3A_154 : vector<32x782xf32>
      %exp3A_156 = math.exp %sub3A_155 : vector<32x782xf32>
      %div3A_157 = vector.broadcast %get3A_4 : vector<32x1xf32> to vector<32x782xf32>
      %div3A_158 = arith.divf %exp3A_156, %div3A_157 : vector<32x782xf32>
      %add3A_159 = arith.addf %add3A_144, %div3A_158 : vector<32x782xf32>
      %mul3A_160 = arith.constant 16 : i32
      %mul3A_161 = arith.muli %scan3A_13, %mul3A_160 : i32
      %add3A_162 = arith.constant 10 : i32
      %add3A_163 = arith.addi %mul3A_161, %add3A_162 : i32
      %get3A_164 = arith.index_cast %add3A_163 : i32 to index
      %get3A_165 = arith.constant 0 : index
      %get3A_166 = arith.constant 0 : index
      %get3A_167 = vector.load %arg1[%get3A_164, %get3A_165, %get3A_166] : memref<128x32x782xf32, #tpu.memory_space<vmem>>, vector<1x32x782xf32>
      %get3A_168 = vector.shape_cast %get3A_167 : vector<1x32x782xf32> to vector<32x782xf32>
      %sub3A_169 = vector.broadcast %get3A_1 : vector<32x1xf32> to vector<32x782xf32>
      %sub3A_170 = arith.subf %get3A_168, %sub3A_169 : vector<32x782xf32>
      %exp3A_171 = math.exp %sub3A_170 : vector<32x782xf32>
      %div3A_172 = vector.broadcast %get3A_4 : vector<32x1xf32> to vector<32x782xf32>
      %div3A_173 = arith.divf %exp3A_171, %div3A_172 : vector<32x782xf32>
      %add3A_174 = arith.addf %add3A_159, %div3A_173 : vector<32x782xf32>
      %mul3A_175 = arith.constant 16 : i32
      %mul3A_176 = arith.muli %scan3A_13, %mul3A_175 : i32
      %add3A_177 = arith.constant 11 : i32
      %add3A_178 = arith.addi %mul3A_176, %add3A_177 : i32
      %get3A_179 = arith.index_cast %add3A_178 : i32 to index
      %get3A_180 = arith.constant 0 : index
      %get3A_181 = arith.constant 0 : index
      %get3A_182 = vector.load %arg1[%get3A_179, %get3A_180, %get3A_181] : memref<128x32x782xf32, #tpu.memory_space<vmem>>, vector<1x32x782xf32>
      %get3A_183 = vector.shape_cast %get3A_182 : vector<1x32x782xf32> to vector<32x782xf32>
      %sub3A_184 = vector.broadcast %get3A_1 : vector<32x1xf32> to vector<32x782xf32>
      %sub3A_185 = arith.subf %get3A_183, %sub3A_184 : vector<32x782xf32>
      %exp3A_186 = math.exp %sub3A_185 : vector<32x782xf32>
      %div3A_187 = vector.broadcast %get3A_4 : vector<32x1xf32> to vector<32x782xf32>
      %div3A_188 = arith.divf %exp3A_186, %div3A_187 : vector<32x782xf32>
      %add3A_189 = arith.addf %add3A_174, %div3A_188 : vector<32x782xf32>
      %mul3A_190 = arith.constant 16 : i32
      %mul3A_191 = arith.muli %scan3A_13, %mul3A_190 : i32
      %add3A_192 = arith.constant 12 : i32
      %add3A_193 = arith.addi %mul3A_191, %add3A_192 : i32
      %get3A_194 = arith.index_cast %add3A_193 : i32 to index
      %get3A_195 = arith.constant 0 : index
      %get3A_196 = arith.constant 0 : index
      %get3A_197 = vector.load %arg1[%get3A_194, %get3A_195, %get3A_196] : memref<128x32x782xf32, #tpu.memory_space<vmem>>, vector<1x32x782xf32>
      %get3A_198 = vector.shape_cast %get3A_197 : vector<1x32x782xf32> to vector<32x782xf32>
      %sub3A_199 = vector.broadcast %get3A_1 : vector<32x1xf32> to vector<32x782xf32>
      %sub3A_200 = arith.subf %get3A_198, %sub3A_199 : vector<32x782xf32>
      %exp3A_201 = math.exp %sub3A_200 : vector<32x782xf32>
      %div3A_202 = vector.broadcast %get3A_4 : vector<32x1xf32> to vector<32x782xf32>
      %div3A_203 = arith.divf %exp3A_201, %div3A_202 : vector<32x782xf32>
      %add3A_204 = arith.addf %add3A_189, %div3A_203 : vector<32x782xf32>
      %mul3A_205 = arith.constant 16 : i32
      %mul3A_206 = arith.muli %scan3A_13, %mul3A_205 : i32
      %add3A_207 = arith.constant 13 : i32
      %add3A_208 = arith.addi %mul3A_206, %add3A_207 : i32
      %get3A_209 = arith.index_cast %add3A_208 : i32 to index
      %get3A_210 = arith.constant 0 : index
      %get3A_211 = arith.constant 0 : index
      %get3A_212 = vector.load %arg1[%get3A_209, %get3A_210, %get3A_211] : memref<128x32x782xf32, #tpu.memory_space<vmem>>, vector<1x32x782xf32>
      %get3A_213 = vector.shape_cast %get3A_212 : vector<1x32x782xf32> to vector<32x782xf32>
      %sub3A_214 = vector.broadcast %get3A_1 : vector<32x1xf32> to vector<32x782xf32>
      %sub3A_215 = arith.subf %get3A_213, %sub3A_214 : vector<32x782xf32>
      %exp3A_216 = math.exp %sub3A_215 : vector<32x782xf32>
      %div3A_217 = vector.broadcast %get3A_4 : vector<32x1xf32> to vector<32x782xf32>
      %div3A_218 = arith.divf %exp3A_216, %div3A_217 : vector<32x782xf32>
      %add3A_219 = arith.addf %add3A_204, %div3A_218 : vector<32x782xf32>
      %mul3A_220 = arith.constant 16 : i32
      %mul3A_221 = arith.muli %scan3A_13, %mul3A_220 : i32
      %add3A_222 = arith.constant 14 : i32
      %add3A_223 = arith.addi %mul3A_221, %add3A_222 : i32
      %get3A_224 = arith.index_cast %add3A_223 : i32 to index
      %get3A_225 = arith.constant 0 : index
      %get3A_226 = arith.constant 0 : index
      %get3A_227 = vector.load %arg1[%get3A_224, %get3A_225, %get3A_226] : memref<128x32x782xf32, #tpu.memory_space<vmem>>, vector<1x32x782xf32>
      %get3A_228 = vector.shape_cast %get3A_227 : vector<1x32x782xf32> to vector<32x782xf32>
      %sub3A_229 = vector.broadcast %get3A_1 : vector<32x1xf32> to vector<32x782xf32>
      %sub3A_230 = arith.subf %get3A_228, %sub3A_229 : vector<32x782xf32>
      %exp3A_231 = math.exp %sub3A_230 : vector<32x782xf32>
      %div3A_232 = vector.broadcast %get3A_4 : vector<32x1xf32> to vector<32x782xf32>
      %div3A_233 = arith.divf %exp3A_231, %div3A_232 : vector<32x782xf32>
      %add3A_234 = arith.addf %add3A_219, %div3A_233 : vector<32x782xf32>
      %mul3A_235 = arith.constant 16 : i32
      %mul3A_236 = arith.muli %scan3A_13, %mul3A_235 : i32
      %add3A_237 = arith.constant 15 : i32
      %add3A_238 = arith.addi %mul3A_236, %add3A_237 : i32
      %get3A_239 = arith.index_cast %add3A_238 : i32 to index
      %get3A_240 = arith.constant 0 : index
      %get3A_241 = arith.constant 0 : index
      %get3A_242 = vector.load %arg1[%get3A_239, %get3A_240, %get3A_241] : memref<128x32x782xf32, #tpu.memory_space<vmem>>, vector<1x32x782xf32>
      %get3A_243 = vector.shape_cast %get3A_242 : vector<1x32x782xf32> to vector<32x782xf32>
      %sub3A_244 = vector.broadcast %get3A_1 : vector<32x1xf32> to vector<32x782xf32>
      %sub3A_245 = arith.subf %get3A_243, %sub3A_244 : vector<32x782xf32>
      %exp3A_246 = math.exp %sub3A_245 : vector<32x782xf32>
      %div3A_247 = vector.broadcast %get3A_4 : vector<32x1xf32> to vector<32x782xf32>
      %div3A_248 = arith.divf %exp3A_246, %div3A_247 : vector<32x782xf32>
      %add3A_249 = arith.addf %add3A_234, %div3A_248 : vector<32x782xf32>
      scf.yield %add3A_249 : vector<32x782xf32>
    }
    %scan3A_10 = arith.constant 8 : i32
    %swap3A = arith.constant 0 : index
    %swap3A_11 = arith.constant 0 : index
    %swap3A_12 = vector.load %arg4[%swap3A, %swap3A_11] : memref<32x782xf32, #tpu.memory_space<vmem>>, vector<32x782xf32>
    tpu.vector_store %arg4[%swap3A, %swap3A_11], %scan3A_9 {strides = array<i32>} : memref<32x782xf32, #tpu.memory_space<vmem>>, vector<32x782xf32>,
    return
  }
  func.func @transform_0(%arg0: i32) -> (i32, i32, i32) {
    %c0_i32 = arith.constant 0 : i32
    %c0_i32_0 = arith.constant 0 : i32
    %c0_i32_1 = arith.constant 0 : i32
    return %c0_i32, %arg0, %c0_i32_0 : i32, i32, i32
  }
  func.func @transform_1(%arg0: i32) -> (i32, i32) {
    %c0_i32 = arith.constant 0 : i32
    %c0_i32_0 = arith.constant 0 : i32
    return %arg0, %c0_i32 : i32, i32
  }
  func.func @transform_2(%arg0: i32) -> (i32, i32) {
    %c0_i32 = arith.constant 0 : i32
    %c0_i32_0 = arith.constant 0 : i32
    return %arg0, %c0_i32 : i32, i32
  }
  func.func @transform_3(%arg0: i32) -> (i32, i32) {
    %c0_i32 = arith.constant 0 : i32
    %c0_i32_0 = arith.constant 0 : i32
    return %arg0, %c0_i32 : i32, i32
  }
}

module attributes {stable_mosaic.version = 14 : i64} {
  func.func @_off_body(%arg0: i32, %arg1: memref<128x7x128xf32, #tpu.memory_space<vmem>>, %arg2: memref<128x7x128xf32, #tpu.memory_space<vmem>>, %arg3: memref<128x7x128xf32, #tpu.memory_space<vmem>>) attributes {dimension_semantics = [#tpu.dimension_semantics<arbitrary>], iteration_bounds = array<i64: 1>, scalar_prefetch = 0 : i64, scratch_operands = 1 : i64, tpu.core_type = #tpu.core_type<tc>, window_params = [{pipeline_mode = #tpu.pipeline_mode<synchronous>, transform_indices = @transform_0, window_bounds = array<i64: 128, 7, 128>}, {pipeline_mode = #tpu.pipeline_mode<synchronous>, transform_indices = @transform_1, window_bounds = array<i64: 128, 7, 128>}]} {
    %broadcast_in_dim3A = arith.constant 0.000000e+00 : f32
    %broadcast_in_dim3A_0 = vector.broadcast %broadcast_in_dim3A : f32 to vector<7x128xf32>
    %scan3A = arith.constant 0 : i32
    %scan3A_1 = arith.constant 128 : i32
    %scan3A_2 = arith.addi %scan3A, %scan3A_1 : i32
    %scan3A_3 = arith.constant 1 : i32
    %scan3A_4 = scf.for %scan3A_23 = %scan3A to %scan3A_2 step %scan3A_3 iter_args(%scan3A_24 = %broadcast_in_dim3A_0) -> (vector<7x128xf32>)  : i32 {
      %get3A = arith.index_cast %scan3A_23 : i32 to index
      %get3A_25 = arith.constant 0 : index
      %get3A_26 = arith.constant 0 : index
      %get3A_27 = vector.load %arg1[%get3A, %get3A_25, %get3A_26] : memref<128x7x128xf32, #tpu.memory_space<vmem>>, vector<1x7x128xf32>
      %get3A_28 = vector.shape_cast %get3A_27 : vector<1x7x128xf32> to vector<7x128xf32>
      %add3A_29 = arith.addf %scan3A_24, %get3A_28 : vector<7x128xf32>
      %swap3A = arith.index_cast %scan3A_23 : i32 to index
      %swap3A_30 = arith.constant 0 : index
      %swap3A_31 = arith.constant 0 : index
      %swap3A_32 = vector.load %arg3[%swap3A, %swap3A_30, %swap3A_31] : memref<128x7x128xf32, #tpu.memory_space<vmem>>, vector<1x7x128xf32>
      %swap3A_33 = vector.shape_cast %swap3A_32 : vector<1x7x128xf32> to vector<7x128xf32>
      %swap3A_34 = vector.shape_cast %add3A_29 : vector<7x128xf32> to vector<1x7x128xf32>
      tpu.vector_store %arg3[%swap3A, %swap3A_30, %swap3A_31], %swap3A_34 {strides = array<i32>} : memref<128x7x128xf32, #tpu.memory_space<vmem>>, vector<1x7x128xf32>,
      scf.yield %add3A_29 : vector<7x128xf32>
    }
    %scan3A_5 = arith.constant 128 : i32
    %broadcast_in_dim3A_6 = arith.constant 0.000000e+00 : f32
    %broadcast_in_dim3A_7 = vector.broadcast %broadcast_in_dim3A_6 : f32 to vector<1x128xf32>
    %slice3A = vector.extract_strided_slice %scan3A_4 {offsets = [0, 0], sizes = [1, 128], strides = [1, 1]} : vector<7x128xf32> to vector<1x128xf32>
    %add3A = arith.addf %broadcast_in_dim3A_7, %slice3A : vector<1x128xf32>
    %slice3A_8 = vector.extract_strided_slice %scan3A_4 {offsets = [1, 0], sizes = [1, 128], strides = [1, 1]} : vector<7x128xf32> to vector<1x128xf32>
    %add3A_9 = arith.addf %add3A, %slice3A_8 : vector<1x128xf32>
    %slice3A_10 = vector.extract_strided_slice %scan3A_4 {offsets = [2, 0], sizes = [1, 128], strides = [1, 1]} : vector<7x128xf32> to vector<1x128xf32>
    %add3A_11 = arith.addf %add3A_9, %slice3A_10 : vector<1x128xf32>
    %slice3A_12 = vector.extract_strided_slice %scan3A_4 {offsets = [3, 0], sizes = [1, 128], strides = [1, 1]} : vector<7x128xf32> to vector<1x128xf32>
    %add3A_13 = arith.addf %add3A_11, %slice3A_12 : vector<1x128xf32>
    %slice3A_14 = vector.extract_strided_slice %scan3A_4 {offsets = [4, 0], sizes = [1, 128], strides = [1, 1]} : vector<7x128xf32> to vector<1x128xf32>
    %add3A_15 = arith.addf %add3A_13, %slice3A_14 : vector<1x128xf32>
    %slice3A_16 = vector.extract_strided_slice %scan3A_4 {offsets = [5, 0], sizes = [1, 128], strides = [1, 1]} : vector<7x128xf32> to vector<1x128xf32>
    %add3A_17 = arith.addf %add3A_15, %slice3A_16 : vector<1x128xf32>
    %concatenate3A = tpu.concatenate %broadcast_in_dim3A_7, %add3A, %add3A_9, %add3A_11, %add3A_13, %add3A_15, %add3A_17 in 0 : vector<1x128xf32>, vector<1x128xf32>, vector<1x128xf32>, vector<1x128xf32>, vector<1x128xf32>, vector<1x128xf32>, vector<1x128xf32> -> vector<7x128xf32>
    %scan3A_18 = arith.constant 0 : i32
    %scan3A_19 = arith.constant 128 : i32
    %scan3A_20 = arith.addi %scan3A_18, %scan3A_19 : i32
    %scan3A_21 = arith.constant 1 : i32
    scf.for %scan3A_23 = %scan3A_18 to %scan3A_20 step %scan3A_21  : i32 {
      %get3A = arith.index_cast %scan3A_23 : i32 to index
      %get3A_24 = arith.constant 0 : index
      %get3A_25 = arith.constant 0 : index
      %get3A_26 = vector.load %arg3[%get3A, %get3A_24, %get3A_25] : memref<128x7x128xf32, #tpu.memory_space<vmem>>, vector<1x7x128xf32>
      %get3A_27 = vector.shape_cast %get3A_26 : vector<1x7x128xf32> to vector<7x128xf32>
      %add3A_28 = arith.addf %concatenate3A, %get3A_27 : vector<7x128xf32>
      %swap3A = arith.index_cast %scan3A_23 : i32 to index
      %swap3A_29 = arith.constant 0 : index
      %swap3A_30 = arith.constant 0 : index
      %swap3A_31 = vector.load %arg2[%swap3A, %swap3A_29, %swap3A_30] : memref<128x7x128xf32, #tpu.memory_space<vmem>>, vector<1x7x128xf32>
      %swap3A_32 = vector.shape_cast %swap3A_31 : vector<1x7x128xf32> to vector<7x128xf32>
      %swap3A_33 = vector.shape_cast %add3A_28 : vector<7x128xf32> to vector<1x7x128xf32>
      tpu.vector_store %arg2[%swap3A, %swap3A_29, %swap3A_30], %swap3A_33 {strides = array<i32>} : memref<128x7x128xf32, #tpu.memory_space<vmem>>, vector<1x7x128xf32>,
    }
    %scan3A_22 = arith.constant 128 : i32
    return
  }
  func.func @transform_0(%arg0: i32) -> (i32, i32, i32) {
    %c0_i32 = arith.constant 0 : i32
    %c0_i32_0 = arith.constant 0 : i32
    %c0_i32_1 = arith.constant 0 : i32
    %c0_i32_2 = arith.constant 0 : i32
    return %c0_i32, %c0_i32_0, %c0_i32_1 : i32, i32, i32
  }
  func.func @transform_1(%arg0: i32) -> (i32, i32, i32) {
    %c0_i32 = arith.constant 0 : i32
    %c0_i32_0 = arith.constant 0 : i32
    %c0_i32_1 = arith.constant 0 : i32
    %c0_i32_2 = arith.constant 0 : i32
    return %c0_i32, %c0_i32_0, %c0_i32_1 : i32, i32, i32
  }
}

module attributes {stable_mosaic.version = 14 : i64} {
  func.func @_count_body(%arg0: i32, %arg1: memref<128x32x782xf32, #tpu.memory_space<vmem>>, %arg2: memref<32x1xf32, #tpu.memory_space<vmem>>, %arg3: memref<32x1xf32, #tpu.memory_space<vmem>>, %arg4: memref<32x782xf32, #tpu.memory_space<vmem>>, %arg5: memref<32x1xf32, #tpu.memory_space<vmem>>, %arg6: memref<32x1xi32, #tpu.memory_space<vmem>>, %arg7: memref<32x1xf32, #tpu.memory_space<vmem>>) attributes {dimension_semantics = [#tpu.dimension_semantics<arbitrary>], iteration_bounds = array<i64: 4>, scalar_prefetch = 0 : i64, scratch_operands = 0 : i64, tpu.core_type = #tpu.core_type<tc>, window_params = [{transform_indices = @transform_0, window_bounds = array<i64: 128, 32, 782>}, {transform_indices = @transform_1, window_bounds = array<i64: 32, 1>}, {transform_indices = @transform_2, window_bounds = array<i64: 32, 1>}, {transform_indices = @transform_3, window_bounds = array<i64: 32, 782>}, {transform_indices = @transform_4, window_bounds = array<i64: 32, 1>}, {transform_indices = @transform_5, window_bounds = array<i64: 32, 1>}, {transform_indices = @transform_6, window_bounds = array<i64: 32, 1>}]} {
    %get3A = arith.constant 0 : index
    %get3A_0 = arith.constant 0 : index
    %get3A_1 = vector.load %arg2[%get3A, %get3A_0] : memref<32x1xf32, #tpu.memory_space<vmem>>, vector<32x1xf32>
    %get3A_2 = arith.constant 0 : index
    %get3A_3 = arith.constant 0 : index
    %get3A_4 = vector.load %arg3[%get3A_2, %get3A_3] : memref<32x1xf32, #tpu.memory_space<vmem>>, vector<32x1xf32>
    %get3A_5 = arith.constant 0 : index
    %get3A_6 = arith.constant 0 : index
    %get3A_7 = vector.load %arg4[%get3A_5, %get3A_6] : memref<32x782xf32, #tpu.memory_space<vmem>>, vector<32x782xf32>
    %get3A_8 = arith.constant 0 : index
    %get3A_9 = arith.constant 0 : index
    %get3A_10 = vector.load %arg5[%get3A_8, %get3A_9] : memref<32x1xf32, #tpu.memory_space<vmem>>, vector<32x1xf32>
    %iota3A = tpu.iota {dimensions = array<i32: 1>} : vector<32x782xi32>
    %ne3A = arith.constant 781 : i32
    %ne3A_11 = vector.broadcast %ne3A : i32 to vector<32x782xi32>
    %ne3A_12 = arith.cmpi ne, %iota3A, %ne3A_11 : vector<32x782xi32>
    %broadcast_in_dim3A = arith.constant 0.000000e+00 : f32
    %broadcast_in_dim3A_13 = vector.broadcast %broadcast_in_dim3A : f32 to vector<32x782xf32>
    %broadcast_in_dim3A_14 = arith.constant 0 : i32
    %broadcast_in_dim3A_15 = vector.broadcast %broadcast_in_dim3A_14 : i32 to vector<32x782xi32>
    %scan3A = arith.constant 0 : i32
    %scan3A_16 = arith.constant 8 : i32
    %scan3A_17 = arith.addi %scan3A, %scan3A_16 : i32
    %scan3A_18 = arith.constant 1 : i32
    %scan3A_19:2 = scf.for %scan3A_69 = %scan3A to %scan3A_17 step %scan3A_18 iter_args(%scan3A_70 = %broadcast_in_dim3A_13, %scan3A_71 = %broadcast_in_dim3A_15) -> (vector<32x782xf32>, vector<32x782xi32>)  : i32 {
      %mul3A_72 = arith.constant 16 : i32
      %mul3A_73 = arith.muli %scan3A_69, %mul3A_72 : i32
      %add3A = arith.constant 0 : i32
      %add3A_74 = arith.addi %mul3A_73, %add3A : i32
      %get3A_75 = arith.index_cast %add3A_74 : i32 to index
      %get3A_76 = arith.constant 0 : index
      %get3A_77 = arith.constant 0 : index
      %get3A_78 = vector.load %arg1[%get3A_75, %get3A_76, %get3A_77] : memref<128x32x782xf32, #tpu.memory_space<vmem>>, vector<1x32x782xf32>
      %get3A_79 = vector.shape_cast %get3A_78 : vector<1x32x782xf32> to vector<32x782xf32>
      %sub3A_80 = vector.broadcast %get3A_1 : vector<32x1xf32> to vector<32x782xf32>
      %sub3A_81 = arith.subf %get3A_79, %sub3A_80 : vector<32x782xf32>
      %exp3A = math.exp %sub3A_81 : vector<32x782xf32>
      %div3A_82 = vector.broadcast %get3A_4 : vector<32x1xf32> to vector<32x782xf32>
      %div3A_83 = arith.divf %exp3A, %div3A_82 : vector<32x782xf32>
      %add3A_84 = arith.addf %scan3A_70, %div3A_83 : vector<32x782xf32>
      %add3A_85 = arith.addf %add3A_84, %get3A_7 : vector<32x782xf32>
      %lt3A = arith.constant 32 : i32
      %lt3A_86 = arith.cmpi slt, %add3A_74, %lt3A : i32
      %or3A = vector.broadcast %lt3A_86 : i1 to vector<32x782xi1>
      %or3A_87 = arith.ori %or3A, %ne3A_12 : vector<32x782xi1>
      %lt3A_88 = vector.broadcast %get3A_10 : vector<32x1xf32> to vector<32x782xf32>
      %lt3A_89 = arith.cmpf olt, %add3A_85, %lt3A_88 : vector<32x782xf32>
      %and3A_90 = arith.andi %lt3A_89, %or3A_87 : vector<32x782xi1>
      %convert_element_type3A = arith.extui %and3A_90 : vector<32x782xi1> to vector<32x782xi32>
      %add3A_91 = arith.addi %scan3A_71, %convert_element_type3A : vector<32x782xi32>
      %mul3A_92 = arith.constant 16 : i32
      %mul3A_93 = arith.muli %scan3A_69, %mul3A_92 : i32
      %add3A_94 = arith.constant 1 : i32
      %add3A_95 = arith.addi %mul3A_93, %add3A_94 : i32
      %get3A_96 = arith.index_cast %add3A_95 : i32 to index
      %get3A_97 = arith.constant 0 : index
      %get3A_98 = arith.constant 0 : index
      %get3A_99 = vector.load %arg1[%get3A_96, %get3A_97, %get3A_98] : memref<128x32x782xf32, #tpu.memory_space<vmem>>, vector<1x32x782xf32>
      %get3A_100 = vector.shape_cast %get3A_99 : vector<1x32x782xf32> to vector<32x782xf32>
      %sub3A_101 = vector.broadcast %get3A_1 : vector<32x1xf32> to vector<32x782xf32>
      %sub3A_102 = arith.subf %get3A_100, %sub3A_101 : vector<32x782xf32>
      %exp3A_103 = math.exp %sub3A_102 : vector<32x782xf32>
      %div3A_104 = vector.broadcast %get3A_4 : vector<32x1xf32> to vector<32x782xf32>
      %div3A_105 = arith.divf %exp3A_103, %div3A_104 : vector<32x782xf32>
      %add3A_106 = arith.addf %add3A_84, %div3A_105 : vector<32x782xf32>
      %add3A_107 = arith.addf %add3A_106, %get3A_7 : vector<32x782xf32>
      %lt3A_108 = arith.constant 32 : i32
      %lt3A_109 = arith.cmpi slt, %add3A_95, %lt3A_108 : i32
      %or3A_110 = vector.broadcast %lt3A_109 : i1 to vector<32x782xi1>
      %or3A_111 = arith.ori %or3A_110, %ne3A_12 : vector<32x782xi1>
      %lt3A_112 = vector.broadcast %get3A_10 : vector<32x1xf32> to vector<32x782xf32>
      %lt3A_113 = arith.cmpf olt, %add3A_107, %lt3A_112 : vector<32x782xf32>
      %and3A_114 = arith.andi %lt3A_113, %or3A_111 : vector<32x782xi1>
      %convert_element_type3A_115 = arith.extui %and3A_114 : vector<32x782xi1> to vector<32x782xi32>
      %add3A_116 = arith.addi %add3A_91, %convert_element_type3A_115 : vector<32x782xi32>
      %mul3A_117 = arith.constant 16 : i32
      %mul3A_118 = arith.muli %scan3A_69, %mul3A_117 : i32
      %add3A_119 = arith.constant 2 : i32
      %add3A_120 = arith.addi %mul3A_118, %add3A_119 : i32
      %get3A_121 = arith.index_cast %add3A_120 : i32 to index
      %get3A_122 = arith.constant 0 : index
      %get3A_123 = arith.constant 0 : index
      %get3A_124 = vector.load %arg1[%get3A_121, %get3A_122, %get3A_123] : memref<128x32x782xf32, #tpu.memory_space<vmem>>, vector<1x32x782xf32>
      %get3A_125 = vector.shape_cast %get3A_124 : vector<1x32x782xf32> to vector<32x782xf32>
      %sub3A_126 = vector.broadcast %get3A_1 : vector<32x1xf32> to vector<32x782xf32>
      %sub3A_127 = arith.subf %get3A_125, %sub3A_126 : vector<32x782xf32>
      %exp3A_128 = math.exp %sub3A_127 : vector<32x782xf32>
      %div3A_129 = vector.broadcast %get3A_4 : vector<32x1xf32> to vector<32x782xf32>
      %div3A_130 = arith.divf %exp3A_128, %div3A_129 : vector<32x782xf32>
      %add3A_131 = arith.addf %add3A_106, %div3A_130 : vector<32x782xf32>
      %add3A_132 = arith.addf %add3A_131, %get3A_7 : vector<32x782xf32>
      %lt3A_133 = arith.constant 32 : i32
      %lt3A_134 = arith.cmpi slt, %add3A_120, %lt3A_133 : i32
      %or3A_135 = vector.broadcast %lt3A_134 : i1 to vector<32x782xi1>
      %or3A_136 = arith.ori %or3A_135, %ne3A_12 : vector<32x782xi1>
      %lt3A_137 = vector.broadcast %get3A_10 : vector<32x1xf32> to vector<32x782xf32>
      %lt3A_138 = arith.cmpf olt, %add3A_132, %lt3A_137 : vector<32x782xf32>
      %and3A_139 = arith.andi %lt3A_138, %or3A_136 : vector<32x782xi1>
      %convert_element_type3A_140 = arith.extui %and3A_139 : vector<32x782xi1> to vector<32x782xi32>
      %add3A_141 = arith.addi %add3A_116, %convert_element_type3A_140 : vector<32x782xi32>
      %mul3A_142 = arith.constant 16 : i32
      %mul3A_143 = arith.muli %scan3A_69, %mul3A_142 : i32
      %add3A_144 = arith.constant 3 : i32
      %add3A_145 = arith.addi %mul3A_143, %add3A_144 : i32
      %get3A_146 = arith.index_cast %add3A_145 : i32 to index
      %get3A_147 = arith.constant 0 : index
      %get3A_148 = arith.constant 0 : index
      %get3A_149 = vector.load %arg1[%get3A_146, %get3A_147, %get3A_148] : memref<128x32x782xf32, #tpu.memory_space<vmem>>, vector<1x32x782xf32>
      %get3A_150 = vector.shape_cast %get3A_149 : vector<1x32x782xf32> to vector<32x782xf32>
      %sub3A_151 = vector.broadcast %get3A_1 : vector<32x1xf32> to vector<32x782xf32>
      %sub3A_152 = arith.subf %get3A_150, %sub3A_151 : vector<32x782xf32>
      %exp3A_153 = math.exp %sub3A_152 : vector<32x782xf32>
      %div3A_154 = vector.broadcast %get3A_4 : vector<32x1xf32> to vector<32x782xf32>
      %div3A_155 = arith.divf %exp3A_153, %div3A_154 : vector<32x782xf32>
      %add3A_156 = arith.addf %add3A_131, %div3A_155 : vector<32x782xf32>
      %add3A_157 = arith.addf %add3A_156, %get3A_7 : vector<32x782xf32>
      %lt3A_158 = arith.constant 32 : i32
      %lt3A_159 = arith.cmpi slt, %add3A_145, %lt3A_158 : i32
      %or3A_160 = vector.broadcast %lt3A_159 : i1 to vector<32x782xi1>
      %or3A_161 = arith.ori %or3A_160, %ne3A_12 : vector<32x782xi1>
      %lt3A_162 = vector.broadcast %get3A_10 : vector<32x1xf32> to vector<32x782xf32>
      %lt3A_163 = arith.cmpf olt, %add3A_157, %lt3A_162 : vector<32x782xf32>
      %and3A_164 = arith.andi %lt3A_163, %or3A_161 : vector<32x782xi1>
      %convert_element_type3A_165 = arith.extui %and3A_164 : vector<32x782xi1> to vector<32x782xi32>
      %add3A_166 = arith.addi %add3A_141, %convert_element_type3A_165 : vector<32x782xi32>
      %mul3A_167 = arith.constant 16 : i32
      %mul3A_168 = arith.muli %scan3A_69, %mul3A_167 : i32
      %add3A_169 = arith.constant 4 : i32
      %add3A_170 = arith.addi %mul3A_168, %add3A_169 : i32
      %get3A_171 = arith.index_cast %add3A_170 : i32 to index
      %get3A_172 = arith.constant 0 : index
      %get3A_173 = arith.constant 0 : index
      %get3A_174 = vector.load %arg1[%get3A_171, %get3A_172, %get3A_173] : memref<128x32x782xf32, #tpu.memory_space<vmem>>, vector<1x32x782xf32>
      %get3A_175 = vector.shape_cast %get3A_174 : vector<1x32x782xf32> to vector<32x782xf32>
      %sub3A_176 = vector.broadcast %get3A_1 : vector<32x1xf32> to vector<32x782xf32>
      %sub3A_177 = arith.subf %get3A_175, %sub3A_176 : vector<32x782xf32>
      %exp3A_178 = math.exp %sub3A_177 : vector<32x782xf32>
      %div3A_179 = vector.broadcast %get3A_4 : vector<32x1xf32> to vector<32x782xf32>
      %div3A_180 = arith.divf %exp3A_178, %div3A_179 : vector<32x782xf32>
      %add3A_181 = arith.addf %add3A_156, %div3A_180 : vector<32x782xf32>
      %add3A_182 = arith.addf %add3A_181, %get3A_7 : vector<32x782xf32>
      %lt3A_183 = arith.constant 32 : i32
      %lt3A_184 = arith.cmpi slt, %add3A_170, %lt3A_183 : i32
      %or3A_185 = vector.broadcast %lt3A_184 : i1 to vector<32x782xi1>
      %or3A_186 = arith.ori %or3A_185, %ne3A_12 : vector<32x782xi1>
      %lt3A_187 = vector.broadcast %get3A_10 : vector<32x1xf32> to vector<32x782xf32>
      %lt3A_188 = arith.cmpf olt, %add3A_182, %lt3A_187 : vector<32x782xf32>
      %and3A_189 = arith.andi %lt3A_188, %or3A_186 : vector<32x782xi1>
      %convert_element_type3A_190 = arith.extui %and3A_189 : vector<32x782xi1> to vector<32x782xi32>
      %add3A_191 = arith.addi %add3A_166, %convert_element_type3A_190 : vector<32x782xi32>
      %mul3A_192 = arith.constant 16 : i32
      %mul3A_193 = arith.muli %scan3A_69, %mul3A_192 : i32
      %add3A_194 = arith.constant 5 : i32
      %add3A_195 = arith.addi %mul3A_193, %add3A_194 : i32
      %get3A_196 = arith.index_cast %add3A_195 : i32 to index
      %get3A_197 = arith.constant 0 : index
      %get3A_198 = arith.constant 0 : index
      %get3A_199 = vector.load %arg1[%get3A_196, %get3A_197, %get3A_198] : memref<128x32x782xf32, #tpu.memory_space<vmem>>, vector<1x32x782xf32>
      %get3A_200 = vector.shape_cast %get3A_199 : vector<1x32x782xf32> to vector<32x782xf32>
      %sub3A_201 = vector.broadcast %get3A_1 : vector<32x1xf32> to vector<32x782xf32>
      %sub3A_202 = arith.subf %get3A_200, %sub3A_201 : vector<32x782xf32>
      %exp3A_203 = math.exp %sub3A_202 : vector<32x782xf32>
      %div3A_204 = vector.broadcast %get3A_4 : vector<32x1xf32> to vector<32x782xf32>
      %div3A_205 = arith.divf %exp3A_203, %div3A_204 : vector<32x782xf32>
      %add3A_206 = arith.addf %add3A_181, %div3A_205 : vector<32x782xf32>
      %add3A_207 = arith.addf %add3A_206, %get3A_7 : vector<32x782xf32>
      %lt3A_208 = arith.constant 32 : i32
      %lt3A_209 = arith.cmpi slt, %add3A_195, %lt3A_208 : i32
      %or3A_210 = vector.broadcast %lt3A_209 : i1 to vector<32x782xi1>
      %or3A_211 = arith.ori %or3A_210, %ne3A_12 : vector<32x782xi1>
      %lt3A_212 = vector.broadcast %get3A_10 : vector<32x1xf32> to vector<32x782xf32>
      %lt3A_213 = arith.cmpf olt, %add3A_207, %lt3A_212 : vector<32x782xf32>
      %and3A_214 = arith.andi %lt3A_213, %or3A_211 : vector<32x782xi1>
      %convert_element_type3A_215 = arith.extui %and3A_214 : vector<32x782xi1> to vector<32x782xi32>
      %add3A_216 = arith.addi %add3A_191, %convert_element_type3A_215 : vector<32x782xi32>
      %mul3A_217 = arith.constant 16 : i32
      %mul3A_218 = arith.muli %scan3A_69, %mul3A_217 : i32
      %add3A_219 = arith.constant 6 : i32
      %add3A_220 = arith.addi %mul3A_218, %add3A_219 : i32
      %get3A_221 = arith.index_cast %add3A_220 : i32 to index
      %get3A_222 = arith.constant 0 : index
      %get3A_223 = arith.constant 0 : index
      %get3A_224 = vector.load %arg1[%get3A_221, %get3A_222, %get3A_223] : memref<128x32x782xf32, #tpu.memory_space<vmem>>, vector<1x32x782xf32>
      %get3A_225 = vector.shape_cast %get3A_224 : vector<1x32x782xf32> to vector<32x782xf32>
      %sub3A_226 = vector.broadcast %get3A_1 : vector<32x1xf32> to vector<32x782xf32>
      %sub3A_227 = arith.subf %get3A_225, %sub3A_226 : vector<32x782xf32>
      %exp3A_228 = math.exp %sub3A_227 : vector<32x782xf32>
      %div3A_229 = vector.broadcast %get3A_4 : vector<32x1xf32> to vector<32x782xf32>
      %div3A_230 = arith.divf %exp3A_228, %div3A_229 : vector<32x782xf32>
      %add3A_231 = arith.addf %add3A_206, %div3A_230 : vector<32x782xf32>
      %add3A_232 = arith.addf %add3A_231, %get3A_7 : vector<32x782xf32>
      %lt3A_233 = arith.constant 32 : i32
      %lt3A_234 = arith.cmpi slt, %add3A_220, %lt3A_233 : i32
      %or3A_235 = vector.broadcast %lt3A_234 : i1 to vector<32x782xi1>
      %or3A_236 = arith.ori %or3A_235, %ne3A_12 : vector<32x782xi1>
      %lt3A_237 = vector.broadcast %get3A_10 : vector<32x1xf32> to vector<32x782xf32>
      %lt3A_238 = arith.cmpf olt, %add3A_232, %lt3A_237 : vector<32x782xf32>
      %and3A_239 = arith.andi %lt3A_238, %or3A_236 : vector<32x782xi1>
      %convert_element_type3A_240 = arith.extui %and3A_239 : vector<32x782xi1> to vector<32x782xi32>
      %add3A_241 = arith.addi %add3A_216, %convert_element_type3A_240 : vector<32x782xi32>
      %mul3A_242 = arith.constant 16 : i32
      %mul3A_243 = arith.muli %scan3A_69, %mul3A_242 : i32
      %add3A_244 = arith.constant 7 : i32
      %add3A_245 = arith.addi %mul3A_243, %add3A_244 : i32
      %get3A_246 = arith.index_cast %add3A_245 : i32 to index
      %get3A_247 = arith.constant 0 : index
      %get3A_248 = arith.constant 0 : index
      %get3A_249 = vector.load %arg1[%get3A_246, %get3A_247, %get3A_248] : memref<128x32x782xf32, #tpu.memory_space<vmem>>, vector<1x32x782xf32>
      %get3A_250 = vector.shape_cast %get3A_249 : vector<1x32x782xf32> to vector<32x782xf32>
      %sub3A_251 = vector.broadcast %get3A_1 : vector<32x1xf32> to vector<32x782xf32>
      %sub3A_252 = arith.subf %get3A_250, %sub3A_251 : vector<32x782xf32>
      %exp3A_253 = math.exp %sub3A_252 : vector<32x782xf32>
      %div3A_254 = vector.broadcast %get3A_4 : vector<32x1xf32> to vector<32x782xf32>
      %div3A_255 = arith.divf %exp3A_253, %div3A_254 : vector<32x782xf32>
      %add3A_256 = arith.addf %add3A_231, %div3A_255 : vector<32x782xf32>
      %add3A_257 = arith.addf %add3A_256, %get3A_7 : vector<32x782xf32>
      %lt3A_258 = arith.constant 32 : i32
      %lt3A_259 = arith.cmpi slt, %add3A_245, %lt3A_258 : i32
      %or3A_260 = vector.broadcast %lt3A_259 : i1 to vector<32x782xi1>
      %or3A_261 = arith.ori %or3A_260, %ne3A_12 : vector<32x782xi1>
      %lt3A_262 = vector.broadcast %get3A_10 : vector<32x1xf32> to vector<32x782xf32>
      %lt3A_263 = arith.cmpf olt, %add3A_257, %lt3A_262 : vector<32x782xf32>
      %and3A_264 = arith.andi %lt3A_263, %or3A_261 : vector<32x782xi1>
      %convert_element_type3A_265 = arith.extui %and3A_264 : vector<32x782xi1> to vector<32x782xi32>
      %add3A_266 = arith.addi %add3A_241, %convert_element_type3A_265 : vector<32x782xi32>
      %mul3A_267 = arith.constant 16 : i32
      %mul3A_268 = arith.muli %scan3A_69, %mul3A_267 : i32
      %add3A_269 = arith.constant 8 : i32
      %add3A_270 = arith.addi %mul3A_268, %add3A_269 : i32
      %get3A_271 = arith.index_cast %add3A_270 : i32 to index
      %get3A_272 = arith.constant 0 : index
      %get3A_273 = arith.constant 0 : index
      %get3A_274 = vector.load %arg1[%get3A_271, %get3A_272, %get3A_273] : memref<128x32x782xf32, #tpu.memory_space<vmem>>, vector<1x32x782xf32>
      %get3A_275 = vector.shape_cast %get3A_274 : vector<1x32x782xf32> to vector<32x782xf32>
      %sub3A_276 = vector.broadcast %get3A_1 : vector<32x1xf32> to vector<32x782xf32>
      %sub3A_277 = arith.subf %get3A_275, %sub3A_276 : vector<32x782xf32>
      %exp3A_278 = math.exp %sub3A_277 : vector<32x782xf32>
      %div3A_279 = vector.broadcast %get3A_4 : vector<32x1xf32> to vector<32x782xf32>
      %div3A_280 = arith.divf %exp3A_278, %div3A_279 : vector<32x782xf32>
      %add3A_281 = arith.addf %add3A_256, %div3A_280 : vector<32x782xf32>
      %add3A_282 = arith.addf %add3A_281, %get3A_7 : vector<32x782xf32>
      %lt3A_283 = arith.constant 32 : i32
      %lt3A_284 = arith.cmpi slt, %add3A_270, %lt3A_283 : i32
      %or3A_285 = vector.broadcast %lt3A_284 : i1 to vector<32x782xi1>
      %or3A_286 = arith.ori %or3A_285, %ne3A_12 : vector<32x782xi1>
      %lt3A_287 = vector.broadcast %get3A_10 : vector<32x1xf32> to vector<32x782xf32>
      %lt3A_288 = arith.cmpf olt, %add3A_282, %lt3A_287 : vector<32x782xf32>
      %and3A_289 = arith.andi %lt3A_288, %or3A_286 : vector<32x782xi1>
      %convert_element_type3A_290 = arith.extui %and3A_289 : vector<32x782xi1> to vector<32x782xi32>
      %add3A_291 = arith.addi %add3A_266, %convert_element_type3A_290 : vector<32x782xi32>
      %mul3A_292 = arith.constant 16 : i32
      %mul3A_293 = arith.muli %scan3A_69, %mul3A_292 : i32
      %add3A_294 = arith.constant 9 : i32
      %add3A_295 = arith.addi %mul3A_293, %add3A_294 : i32
      %get3A_296 = arith.index_cast %add3A_295 : i32 to index
      %get3A_297 = arith.constant 0 : index
      %get3A_298 = arith.constant 0 : index
      %get3A_299 = vector.load %arg1[%get3A_296, %get3A_297, %get3A_298] : memref<128x32x782xf32, #tpu.memory_space<vmem>>, vector<1x32x782xf32>
      %get3A_300 = vector.shape_cast %get3A_299 : vector<1x32x782xf32> to vector<32x782xf32>
      %sub3A_301 = vector.broadcast %get3A_1 : vector<32x1xf32> to vector<32x782xf32>
      %sub3A_302 = arith.subf %get3A_300, %sub3A_301 : vector<32x782xf32>
      %exp3A_303 = math.exp %sub3A_302 : vector<32x782xf32>
      %div3A_304 = vector.broadcast %get3A_4 : vector<32x1xf32> to vector<32x782xf32>
      %div3A_305 = arith.divf %exp3A_303, %div3A_304 : vector<32x782xf32>
      %add3A_306 = arith.addf %add3A_281, %div3A_305 : vector<32x782xf32>
      %add3A_307 = arith.addf %add3A_306, %get3A_7 : vector<32x782xf32>
      %lt3A_308 = arith.constant 32 : i32
      %lt3A_309 = arith.cmpi slt, %add3A_295, %lt3A_308 : i32
      %or3A_310 = vector.broadcast %lt3A_309 : i1 to vector<32x782xi1>
      %or3A_311 = arith.ori %or3A_310, %ne3A_12 : vector<32x782xi1>
      %lt3A_312 = vector.broadcast %get3A_10 : vector<32x1xf32> to vector<32x782xf32>
      %lt3A_313 = arith.cmpf olt, %add3A_307, %lt3A_312 : vector<32x782xf32>
      %and3A_314 = arith.andi %lt3A_313, %or3A_311 : vector<32x782xi1>
      %convert_element_type3A_315 = arith.extui %and3A_314 : vector<32x782xi1> to vector<32x782xi32>
      %add3A_316 = arith.addi %add3A_291, %convert_element_type3A_315 : vector<32x782xi32>
      %mul3A_317 = arith.constant 16 : i32
      %mul3A_318 = arith.muli %scan3A_69, %mul3A_317 : i32
      %add3A_319 = arith.constant 10 : i32
      %add3A_320 = arith.addi %mul3A_318, %add3A_319 : i32
      %get3A_321 = arith.index_cast %add3A_320 : i32 to index
      %get3A_322 = arith.constant 0 : index
      %get3A_323 = arith.constant 0 : index
      %get3A_324 = vector.load %arg1[%get3A_321, %get3A_322, %get3A_323] : memref<128x32x782xf32, #tpu.memory_space<vmem>>, vector<1x32x782xf32>
      %get3A_325 = vector.shape_cast %get3A_324 : vector<1x32x782xf32> to vector<32x782xf32>
      %sub3A_326 = vector.broadcast %get3A_1 : vector<32x1xf32> to vector<32x782xf32>
      %sub3A_327 = arith.subf %get3A_325, %sub3A_326 : vector<32x782xf32>
      %exp3A_328 = math.exp %sub3A_327 : vector<32x782xf32>
      %div3A_329 = vector.broadcast %get3A_4 : vector<32x1xf32> to vector<32x782xf32>
      %div3A_330 = arith.divf %exp3A_328, %div3A_329 : vector<32x782xf32>
      %add3A_331 = arith.addf %add3A_306, %div3A_330 : vector<32x782xf32>
      %add3A_332 = arith.addf %add3A_331, %get3A_7 : vector<32x782xf32>
      %lt3A_333 = arith.constant 32 : i32
      %lt3A_334 = arith.cmpi slt, %add3A_320, %lt3A_333 : i32
      %or3A_335 = vector.broadcast %lt3A_334 : i1 to vector<32x782xi1>
      %or3A_336 = arith.ori %or3A_335, %ne3A_12 : vector<32x782xi1>
      %lt3A_337 = vector.broadcast %get3A_10 : vector<32x1xf32> to vector<32x782xf32>
      %lt3A_338 = arith.cmpf olt, %add3A_332, %lt3A_337 : vector<32x782xf32>
      %and3A_339 = arith.andi %lt3A_338, %or3A_336 : vector<32x782xi1>
      %convert_element_type3A_340 = arith.extui %and3A_339 : vector<32x782xi1> to vector<32x782xi32>
      %add3A_341 = arith.addi %add3A_316, %convert_element_type3A_340 : vector<32x782xi32>
      %mul3A_342 = arith.constant 16 : i32
      %mul3A_343 = arith.muli %scan3A_69, %mul3A_342 : i32
      %add3A_344 = arith.constant 11 : i32
      %add3A_345 = arith.addi %mul3A_343, %add3A_344 : i32
      %get3A_346 = arith.index_cast %add3A_345 : i32 to index
      %get3A_347 = arith.constant 0 : index
      %get3A_348 = arith.constant 0 : index
      %get3A_349 = vector.load %arg1[%get3A_346, %get3A_347, %get3A_348] : memref<128x32x782xf32, #tpu.memory_space<vmem>>, vector<1x32x782xf32>
      %get3A_350 = vector.shape_cast %get3A_349 : vector<1x32x782xf32> to vector<32x782xf32>
      %sub3A_351 = vector.broadcast %get3A_1 : vector<32x1xf32> to vector<32x782xf32>
      %sub3A_352 = arith.subf %get3A_350, %sub3A_351 : vector<32x782xf32>
      %exp3A_353 = math.exp %sub3A_352 : vector<32x782xf32>
      %div3A_354 = vector.broadcast %get3A_4 : vector<32x1xf32> to vector<32x782xf32>
      %div3A_355 = arith.divf %exp3A_353, %div3A_354 : vector<32x782xf32>
      %add3A_356 = arith.addf %add3A_331, %div3A_355 : vector<32x782xf32>
      %add3A_357 = arith.addf %add3A_356, %get3A_7 : vector<32x782xf32>
      %lt3A_358 = arith.constant 32 : i32
      %lt3A_359 = arith.cmpi slt, %add3A_345, %lt3A_358 : i32
      %or3A_360 = vector.broadcast %lt3A_359 : i1 to vector<32x782xi1>
      %or3A_361 = arith.ori %or3A_360, %ne3A_12 : vector<32x782xi1>
      %lt3A_362 = vector.broadcast %get3A_10 : vector<32x1xf32> to vector<32x782xf32>
      %lt3A_363 = arith.cmpf olt, %add3A_357, %lt3A_362 : vector<32x782xf32>
      %and3A_364 = arith.andi %lt3A_363, %or3A_361 : vector<32x782xi1>
      %convert_element_type3A_365 = arith.extui %and3A_364 : vector<32x782xi1> to vector<32x782xi32>
      %add3A_366 = arith.addi %add3A_341, %convert_element_type3A_365 : vector<32x782xi32>
      %mul3A_367 = arith.constant 16 : i32
      %mul3A_368 = arith.muli %scan3A_69, %mul3A_367 : i32
      %add3A_369 = arith.constant 12 : i32
      %add3A_370 = arith.addi %mul3A_368, %add3A_369 : i32
      %get3A_371 = arith.index_cast %add3A_370 : i32 to index
      %get3A_372 = arith.constant 0 : index
      %get3A_373 = arith.constant 0 : index
      %get3A_374 = vector.load %arg1[%get3A_371, %get3A_372, %get3A_373] : memref<128x32x782xf32, #tpu.memory_space<vmem>>, vector<1x32x782xf32>
      %get3A_375 = vector.shape_cast %get3A_374 : vector<1x32x782xf32> to vector<32x782xf32>
      %sub3A_376 = vector.broadcast %get3A_1 : vector<32x1xf32> to vector<32x782xf32>
      %sub3A_377 = arith.subf %get3A_375, %sub3A_376 : vector<32x782xf32>
      %exp3A_378 = math.exp %sub3A_377 : vector<32x782xf32>
      %div3A_379 = vector.broadcast %get3A_4 : vector<32x1xf32> to vector<32x782xf32>
      %div3A_380 = arith.divf %exp3A_378, %div3A_379 : vector<32x782xf32>
      %add3A_381 = arith.addf %add3A_356, %div3A_380 : vector<32x782xf32>
      %add3A_382 = arith.addf %add3A_381, %get3A_7 : vector<32x782xf32>
      %lt3A_383 = arith.constant 32 : i32
      %lt3A_384 = arith.cmpi slt, %add3A_370, %lt3A_383 : i32
      %or3A_385 = vector.broadcast %lt3A_384 : i1 to vector<32x782xi1>
      %or3A_386 = arith.ori %or3A_385, %ne3A_12 : vector<32x782xi1>
      %lt3A_387 = vector.broadcast %get3A_10 : vector<32x1xf32> to vector<32x782xf32>
      %lt3A_388 = arith.cmpf olt, %add3A_382, %lt3A_387 : vector<32x782xf32>
      %and3A_389 = arith.andi %lt3A_388, %or3A_386 : vector<32x782xi1>
      %convert_element_type3A_390 = arith.extui %and3A_389 : vector<32x782xi1> to vector<32x782xi32>
      %add3A_391 = arith.addi %add3A_366, %convert_element_type3A_390 : vector<32x782xi32>
      %mul3A_392 = arith.constant 16 : i32
      %mul3A_393 = arith.muli %scan3A_69, %mul3A_392 : i32
      %add3A_394 = arith.constant 13 : i32
      %add3A_395 = arith.addi %mul3A_393, %add3A_394 : i32
      %get3A_396 = arith.index_cast %add3A_395 : i32 to index
      %get3A_397 = arith.constant 0 : index
      %get3A_398 = arith.constant 0 : index
      %get3A_399 = vector.load %arg1[%get3A_396, %get3A_397, %get3A_398] : memref<128x32x782xf32, #tpu.memory_space<vmem>>, vector<1x32x782xf32>
      %get3A_400 = vector.shape_cast %get3A_399 : vector<1x32x782xf32> to vector<32x782xf32>
      %sub3A_401 = vector.broadcast %get3A_1 : vector<32x1xf32> to vector<32x782xf32>
      %sub3A_402 = arith.subf %get3A_400, %sub3A_401 : vector<32x782xf32>
      %exp3A_403 = math.exp %sub3A_402 : vector<32x782xf32>
      %div3A_404 = vector.broadcast %get3A_4 : vector<32x1xf32> to vector<32x782xf32>
      %div3A_405 = arith.divf %exp3A_403, %div3A_404 : vector<32x782xf32>
      %add3A_406 = arith.addf %add3A_381, %div3A_405 : vector<32x782xf32>
      %add3A_407 = arith.addf %add3A_406, %get3A_7 : vector<32x782xf32>
      %lt3A_408 = arith.constant 32 : i32
      %lt3A_409 = arith.cmpi slt, %add3A_395, %lt3A_408 : i32
      %or3A_410 = vector.broadcast %lt3A_409 : i1 to vector<32x782xi1>
      %or3A_411 = arith.ori %or3A_410, %ne3A_12 : vector<32x782xi1>
      %lt3A_412 = vector.broadcast %get3A_10 : vector<32x1xf32> to vector<32x782xf32>
      %lt3A_413 = arith.cmpf olt, %add3A_407, %lt3A_412 : vector<32x782xf32>
      %and3A_414 = arith.andi %lt3A_413, %or3A_411 : vector<32x782xi1>
      %convert_element_type3A_415 = arith.extui %and3A_414 : vector<32x782xi1> to vector<32x782xi32>
      %add3A_416 = arith.addi %add3A_391, %convert_element_type3A_415 : vector<32x782xi32>
      %mul3A_417 = arith.constant 16 : i32
      %mul3A_418 = arith.muli %scan3A_69, %mul3A_417 : i32
      %add3A_419 = arith.constant 14 : i32
      %add3A_420 = arith.addi %mul3A_418, %add3A_419 : i32
      %get3A_421 = arith.index_cast %add3A_420 : i32 to index
      %get3A_422 = arith.constant 0 : index
      %get3A_423 = arith.constant 0 : index
      %get3A_424 = vector.load %arg1[%get3A_421, %get3A_422, %get3A_423] : memref<128x32x782xf32, #tpu.memory_space<vmem>>, vector<1x32x782xf32>
      %get3A_425 = vector.shape_cast %get3A_424 : vector<1x32x782xf32> to vector<32x782xf32>
      %sub3A_426 = vector.broadcast %get3A_1 : vector<32x1xf32> to vector<32x782xf32>
      %sub3A_427 = arith.subf %get3A_425, %sub3A_426 : vector<32x782xf32>
      %exp3A_428 = math.exp %sub3A_427 : vector<32x782xf32>
      %div3A_429 = vector.broadcast %get3A_4 : vector<32x1xf32> to vector<32x782xf32>
      %div3A_430 = arith.divf %exp3A_428, %div3A_429 : vector<32x782xf32>
      %add3A_431 = arith.addf %add3A_406, %div3A_430 : vector<32x782xf32>
      %add3A_432 = arith.addf %add3A_431, %get3A_7 : vector<32x782xf32>
      %lt3A_433 = arith.constant 32 : i32
      %lt3A_434 = arith.cmpi slt, %add3A_420, %lt3A_433 : i32
      %or3A_435 = vector.broadcast %lt3A_434 : i1 to vector<32x782xi1>
      %or3A_436 = arith.ori %or3A_435, %ne3A_12 : vector<32x782xi1>
      %lt3A_437 = vector.broadcast %get3A_10 : vector<32x1xf32> to vector<32x782xf32>
      %lt3A_438 = arith.cmpf olt, %add3A_432, %lt3A_437 : vector<32x782xf32>
      %and3A_439 = arith.andi %lt3A_438, %or3A_436 : vector<32x782xi1>
      %convert_element_type3A_440 = arith.extui %and3A_439 : vector<32x782xi1> to vector<32x782xi32>
      %add3A_441 = arith.addi %add3A_416, %convert_element_type3A_440 : vector<32x782xi32>
      %mul3A_442 = arith.constant 16 : i32
      %mul3A_443 = arith.muli %scan3A_69, %mul3A_442 : i32
      %add3A_444 = arith.constant 15 : i32
      %add3A_445 = arith.addi %mul3A_443, %add3A_444 : i32
      %get3A_446 = arith.index_cast %add3A_445 : i32 to index
      %get3A_447 = arith.constant 0 : index
      %get3A_448 = arith.constant 0 : index
      %get3A_449 = vector.load %arg1[%get3A_446, %get3A_447, %get3A_448] : memref<128x32x782xf32, #tpu.memory_space<vmem>>, vector<1x32x782xf32>
      %get3A_450 = vector.shape_cast %get3A_449 : vector<1x32x782xf32> to vector<32x782xf32>
      %sub3A_451 = vector.broadcast %get3A_1 : vector<32x1xf32> to vector<32x782xf32>
      %sub3A_452 = arith.subf %get3A_450, %sub3A_451 : vector<32x782xf32>
      %exp3A_453 = math.exp %sub3A_452 : vector<32x782xf32>
      %div3A_454 = vector.broadcast %get3A_4 : vector<32x1xf32> to vector<32x782xf32>
      %div3A_455 = arith.divf %exp3A_453, %div3A_454 : vector<32x782xf32>
      %add3A_456 = arith.addf %add3A_431, %div3A_455 : vector<32x782xf32>
      %add3A_457 = arith.addf %add3A_456, %get3A_7 : vector<32x782xf32>
      %lt3A_458 = arith.constant 32 : i32
      %lt3A_459 = arith.cmpi slt, %add3A_445, %lt3A_458 : i32
      %or3A_460 = vector.broadcast %lt3A_459 : i1 to vector<32x782xi1>
      %or3A_461 = arith.ori %or3A_460, %ne3A_12 : vector<32x782xi1>
      %lt3A_462 = vector.broadcast %get3A_10 : vector<32x1xf32> to vector<32x782xf32>
      %lt3A_463 = arith.cmpf olt, %add3A_457, %lt3A_462 : vector<32x782xf32>
      %and3A_464 = arith.andi %lt3A_463, %or3A_461 : vector<32x782xi1>
      %convert_element_type3A_465 = arith.extui %and3A_464 : vector<32x782xi1> to vector<32x782xi32>
      %add3A_466 = arith.addi %add3A_441, %convert_element_type3A_465 : vector<32x782xi32>
      scf.yield %add3A_456, %add3A_466 : vector<32x782xf32>, vector<32x782xi32>
    }
    %scan3A_20 = arith.constant 8 : i32
    %reduce_sum3A = arith.constant dense<0> : vector<32xi32>
    %reduce_sum3A_21 = vector.multi_reduction <add>, %scan3A_19#1, %reduce_sum3A [1] : vector<32x782xi32> to vector<32xi32>
    %broadcast_in_dim3A_22 = vector.shape_cast %reduce_sum3A_21 : vector<32xi32> to vector<32x1xi32>
    %min3A = arith.constant 99999 : i32
    %min3A_23 = vector.broadcast %min3A : i32 to vector<32x1xi32>
    %min3A_24 = arith.minsi %broadcast_in_dim3A_22, %min3A_23 : vector<32x1xi32>
    %swap3A = arith.constant 0 : index
    %swap3A_25 = arith.constant 0 : index
    %swap3A_26 = vector.load %arg6[%swap3A, %swap3A_25] : memref<32x1xi32, #tpu.memory_space<vmem>>, vector<32x1xi32>
    tpu.vector_store %arg6[%swap3A, %swap3A_25], %min3A_24 {strides = array<i32>} : memref<32x1xi32, #tpu.memory_space<vmem>>, vector<32x1xi32>,
    %jit3A = arith.constant 128 : i32
    %div3A = vector.broadcast %jit3A : i32 to vector<32x1xi32>
    %div3A_27 = arith.divsi %min3A_24, %div3A : vector<32x1xi32>
    %sign3A = arith.constant 0 : i32
    %sign3A_28 = vector.broadcast %sign3A : i32 to vector<32x1xi32>
    %sign3A_29 = arith.cmpi sgt, %min3A_24, %sign3A_28 : vector<32x1xi32>
    %sign3A_30 = arith.extui %sign3A_29 : vector<32x1xi1> to vector<32x1xi32>
    %sign3A_31 = arith.constant 0 : i32
    %sign3A_32 = vector.broadcast %sign3A_31 : i32 to vector<32x1xi32>
    %sign3A_33 = arith.cmpi slt, %min3A_24, %sign3A_32 : vector<32x1xi32>
    %sign3A_34 = arith.extui %sign3A_33 : vector<32x1xi1> to vector<32x1xi32>
    %sign3A_35 = arith.subi %sign3A_30, %sign3A_34 : vector<32x1xi32>
    %sign3A_36 = arith.constant 0 : i32
    %sign3A_37 = arith.cmpi sgt, %jit3A, %sign3A_36 : i32
    %sign3A_38 = arith.extui %sign3A_37 : i1 to i32
    %sign3A_39 = arith.constant 0 : i32
    %sign3A_40 = arith.cmpi slt, %jit3A, %sign3A_39 : i32
    %sign3A_41 = arith.extui %sign3A_40 : i1 to i32
    %sign3A_42 = arith.subi %sign3A_38, %sign3A_41 : i32
    %ne3A_43 = vector.broadcast %sign3A_42 : i32 to vector<32x1xi32>
    %ne3A_44 = arith.cmpi ne, %sign3A_35, %ne3A_43 : vector<32x1xi32>
    %rem3A = vector.broadcast %jit3A : i32 to vector<32x1xi32>
    %rem3A_45 = arith.remsi %min3A_24, %rem3A : vector<32x1xi32>
    %ne3A_46 = arith.constant 0 : i32
    %ne3A_47 = vector.broadcast %ne3A_46 : i32 to vector<32x1xi32>
    %ne3A_48 = arith.cmpi ne, %rem3A_45, %ne3A_47 : vector<32x1xi32>
    %and3A = arith.andi %ne3A_44, %ne3A_48 : vector<32x1xi1>
    %sub3A = arith.constant 1 : i32
    %sub3A_49 = vector.broadcast %sub3A : i32 to vector<32x1xi32>
    %sub3A_50 = arith.subi %div3A_27, %sub3A_49 : vector<32x1xi32>
    %select_n3A = arith.select %and3A, %sub3A_50, %div3A_27 : vector<32x1xi1>, vector<32x1xi32>
    %mul3A = arith.constant 128 : i32
    %mul3A_51 = vector.broadcast %mul3A : i32 to vector<32x1xi32>
    %mul3A_52 = arith.muli %select_n3A, %mul3A_51 : vector<32x1xi32>
    %sub3A_53 = arith.subi %min3A_24, %mul3A_52 : vector<32x1xi32>
    %eq3A = vector.broadcast %select_n3A : vector<32x1xi32> to vector<32x782xi32>
    %eq3A_54 = arith.cmpi eq, %iota3A, %eq3A : vector<32x782xi32>
    %broadcast_in_dim3A_55 = arith.constant 0.000000e+00 : f32
    %broadcast_in_dim3A_56 = vector.broadcast %broadcast_in_dim3A_55 : f32 to vector<32x782xf32>
    %scan3A_57 = arith.constant 0 : i32
    %scan3A_58 = arith.constant 8 : i32
    %scan3A_59 = arith.addi %scan3A_57, %scan3A_58 : i32
    %scan3A_60 = arith.constant 1 : i32
    %scan3A_61 = scf.for %scan3A_69 = %scan3A_57 to %scan3A_59 step %scan3A_60 iter_args(%scan3A_70 = %broadcast_in_dim3A_56) -> (vector<32x782xf32>)  : i32 {
      %mul3A_71 = arith.constant 16 : i32
      %mul3A_72 = arith.muli %scan3A_69, %mul3A_71 : i32
      %add3A = arith.constant 0 : i32
      %add3A_73 = arith.addi %mul3A_72, %add3A : i32
      %eq3A_74 = vector.broadcast %add3A_73 : i32 to vector<32x1xi32>
      %eq3A_75 = arith.cmpi eq, %eq3A_74, %sub3A_53 : vector<32x1xi32>
      %and3A_76 = vector.broadcast %eq3A_75 : vector<32x1xi1> to vector<32x782xi1>
      %and3A_77 = arith.andi %eq3A_54, %and3A_76 : vector<32x782xi1>
      %get3A_78 = arith.index_cast %add3A_73 : i32 to index
      %get3A_79 = arith.constant 0 : index
      %get3A_80 = arith.constant 0 : index
      %get3A_81 = vector.load %arg1[%get3A_78, %get3A_79, %get3A_80] : memref<128x32x782xf32, #tpu.memory_space<vmem>>, vector<1x32x782xf32>
      %get3A_82 = vector.shape_cast %get3A_81 : vector<1x32x782xf32> to vector<32x782xf32>
      %sub3A_83 = vector.broadcast %get3A_1 : vector<32x1xf32> to vector<32x782xf32>
      %sub3A_84 = arith.subf %get3A_82, %sub3A_83 : vector<32x782xf32>
      %exp3A = math.exp %sub3A_84 : vector<32x782xf32>
      %div3A_85 = vector.broadcast %get3A_4 : vector<32x1xf32> to vector<32x782xf32>
      %div3A_86 = arith.divf %exp3A, %div3A_85 : vector<32x782xf32>
      %jit3A_87 = arith.constant 0.000000e+00 : f32
      %broadcast_in_dim3A_88 = vector.broadcast %jit3A_87 : f32 to vector<32x782xf32>
      %select_n3A_89 = arith.select %and3A_77, %div3A_86, %broadcast_in_dim3A_88 : vector<32x782xi1>, vector<32x782xf32>
      %add3A_90 = arith.addf %scan3A_70, %select_n3A_89 : vector<32x782xf32>
      %mul3A_91 = arith.constant 16 : i32
      %mul3A_92 = arith.muli %scan3A_69, %mul3A_91 : i32
      %add3A_93 = arith.constant 1 : i32
      %add3A_94 = arith.addi %mul3A_92, %add3A_93 : i32
      %eq3A_95 = vector.broadcast %add3A_94 : i32 to vector<32x1xi32>
      %eq3A_96 = arith.cmpi eq, %eq3A_95, %sub3A_53 : vector<32x1xi32>
      %and3A_97 = vector.broadcast %eq3A_96 : vector<32x1xi1> to vector<32x782xi1>
      %and3A_98 = arith.andi %eq3A_54, %and3A_97 : vector<32x782xi1>
      %get3A_99 = arith.index_cast %add3A_94 : i32 to index
      %get3A_100 = arith.constant 0 : index
      %get3A_101 = arith.constant 0 : index
      %get3A_102 = vector.load %arg1[%get3A_99, %get3A_100, %get3A_101] : memref<128x32x782xf32, #tpu.memory_space<vmem>>, vector<1x32x782xf32>
      %get3A_103 = vector.shape_cast %get3A_102 : vector<1x32x782xf32> to vector<32x782xf32>
      %sub3A_104 = vector.broadcast %get3A_1 : vector<32x1xf32> to vector<32x782xf32>
      %sub3A_105 = arith.subf %get3A_103, %sub3A_104 : vector<32x782xf32>
      %exp3A_106 = math.exp %sub3A_105 : vector<32x782xf32>
      %div3A_107 = vector.broadcast %get3A_4 : vector<32x1xf32> to vector<32x782xf32>
      %div3A_108 = arith.divf %exp3A_106, %div3A_107 : vector<32x782xf32>
      %jit3A_109 = arith.constant 0.000000e+00 : f32
      %broadcast_in_dim3A_110 = vector.broadcast %jit3A_109 : f32 to vector<32x782xf32>
      %select_n3A_111 = arith.select %and3A_98, %div3A_108, %broadcast_in_dim3A_110 : vector<32x782xi1>, vector<32x782xf32>
      %add3A_112 = arith.addf %add3A_90, %select_n3A_111 : vector<32x782xf32>
      %mul3A_113 = arith.constant 16 : i32
      %mul3A_114 = arith.muli %scan3A_69, %mul3A_113 : i32
      %add3A_115 = arith.constant 2 : i32
      %add3A_116 = arith.addi %mul3A_114, %add3A_115 : i32
      %eq3A_117 = vector.broadcast %add3A_116 : i32 to vector<32x1xi32>
      %eq3A_118 = arith.cmpi eq, %eq3A_117, %sub3A_53 : vector<32x1xi32>
      %and3A_119 = vector.broadcast %eq3A_118 : vector<32x1xi1> to vector<32x782xi1>
      %and3A_120 = arith.andi %eq3A_54, %and3A_119 : vector<32x782xi1>
      %get3A_121 = arith.index_cast %add3A_116 : i32 to index
      %get3A_122 = arith.constant 0 : index
      %get3A_123 = arith.constant 0 : index
      %get3A_124 = vector.load %arg1[%get3A_121, %get3A_122, %get3A_123] : memref<128x32x782xf32, #tpu.memory_space<vmem>>, vector<1x32x782xf32>
      %get3A_125 = vector.shape_cast %get3A_124 : vector<1x32x782xf32> to vector<32x782xf32>
      %sub3A_126 = vector.broadcast %get3A_1 : vector<32x1xf32> to vector<32x782xf32>
      %sub3A_127 = arith.subf %get3A_125, %sub3A_126 : vector<32x782xf32>
      %exp3A_128 = math.exp %sub3A_127 : vector<32x782xf32>
      %div3A_129 = vector.broadcast %get3A_4 : vector<32x1xf32> to vector<32x782xf32>
      %div3A_130 = arith.divf %exp3A_128, %div3A_129 : vector<32x782xf32>
      %jit3A_131 = arith.constant 0.000000e+00 : f32
      %broadcast_in_dim3A_132 = vector.broadcast %jit3A_131 : f32 to vector<32x782xf32>
      %select_n3A_133 = arith.select %and3A_120, %div3A_130, %broadcast_in_dim3A_132 : vector<32x782xi1>, vector<32x782xf32>
      %add3A_134 = arith.addf %add3A_112, %select_n3A_133 : vector<32x782xf32>
      %mul3A_135 = arith.constant 16 : i32
      %mul3A_136 = arith.muli %scan3A_69, %mul3A_135 : i32
      %add3A_137 = arith.constant 3 : i32
      %add3A_138 = arith.addi %mul3A_136, %add3A_137 : i32
      %eq3A_139 = vector.broadcast %add3A_138 : i32 to vector<32x1xi32>
      %eq3A_140 = arith.cmpi eq, %eq3A_139, %sub3A_53 : vector<32x1xi32>
      %and3A_141 = vector.broadcast %eq3A_140 : vector<32x1xi1> to vector<32x782xi1>
      %and3A_142 = arith.andi %eq3A_54, %and3A_141 : vector<32x782xi1>
      %get3A_143 = arith.index_cast %add3A_138 : i32 to index
      %get3A_144 = arith.constant 0 : index
      %get3A_145 = arith.constant 0 : index
      %get3A_146 = vector.load %arg1[%get3A_143, %get3A_144, %get3A_145] : memref<128x32x782xf32, #tpu.memory_space<vmem>>, vector<1x32x782xf32>
      %get3A_147 = vector.shape_cast %get3A_146 : vector<1x32x782xf32> to vector<32x782xf32>
      %sub3A_148 = vector.broadcast %get3A_1 : vector<32x1xf32> to vector<32x782xf32>
      %sub3A_149 = arith.subf %get3A_147, %sub3A_148 : vector<32x782xf32>
      %exp3A_150 = math.exp %sub3A_149 : vector<32x782xf32>
      %div3A_151 = vector.broadcast %get3A_4 : vector<32x1xf32> to vector<32x782xf32>
      %div3A_152 = arith.divf %exp3A_150, %div3A_151 : vector<32x782xf32>
      %jit3A_153 = arith.constant 0.000000e+00 : f32
      %broadcast_in_dim3A_154 = vector.broadcast %jit3A_153 : f32 to vector<32x782xf32>
      %select_n3A_155 = arith.select %and3A_142, %div3A_152, %broadcast_in_dim3A_154 : vector<32x782xi1>, vector<32x782xf32>
      %add3A_156 = arith.addf %add3A_134, %select_n3A_155 : vector<32x782xf32>
      %mul3A_157 = arith.constant 16 : i32
      %mul3A_158 = arith.muli %scan3A_69, %mul3A_157 : i32
      %add3A_159 = arith.constant 4 : i32
      %add3A_160 = arith.addi %mul3A_158, %add3A_159 : i32
      %eq3A_161 = vector.broadcast %add3A_160 : i32 to vector<32x1xi32>
      %eq3A_162 = arith.cmpi eq, %eq3A_161, %sub3A_53 : vector<32x1xi32>
      %and3A_163 = vector.broadcast %eq3A_162 : vector<32x1xi1> to vector<32x782xi1>
      %and3A_164 = arith.andi %eq3A_54, %and3A_163 : vector<32x782xi1>
      %get3A_165 = arith.index_cast %add3A_160 : i32 to index
      %get3A_166 = arith.constant 0 : index
      %get3A_167 = arith.constant 0 : index
      %get3A_168 = vector.load %arg1[%get3A_165, %get3A_166, %get3A_167] : memref<128x32x782xf32, #tpu.memory_space<vmem>>, vector<1x32x782xf32>
      %get3A_169 = vector.shape_cast %get3A_168 : vector<1x32x782xf32> to vector<32x782xf32>
      %sub3A_170 = vector.broadcast %get3A_1 : vector<32x1xf32> to vector<32x782xf32>
      %sub3A_171 = arith.subf %get3A_169, %sub3A_170 : vector<32x782xf32>
      %exp3A_172 = math.exp %sub3A_171 : vector<32x782xf32>
      %div3A_173 = vector.broadcast %get3A_4 : vector<32x1xf32> to vector<32x782xf32>
      %div3A_174 = arith.divf %exp3A_172, %div3A_173 : vector<32x782xf32>
      %jit3A_175 = arith.constant 0.000000e+00 : f32
      %broadcast_in_dim3A_176 = vector.broadcast %jit3A_175 : f32 to vector<32x782xf32>
      %select_n3A_177 = arith.select %and3A_164, %div3A_174, %broadcast_in_dim3A_176 : vector<32x782xi1>, vector<32x782xf32>
      %add3A_178 = arith.addf %add3A_156, %select_n3A_177 : vector<32x782xf32>
      %mul3A_179 = arith.constant 16 : i32
      %mul3A_180 = arith.muli %scan3A_69, %mul3A_179 : i32
      %add3A_181 = arith.constant 5 : i32
      %add3A_182 = arith.addi %mul3A_180, %add3A_181 : i32
      %eq3A_183 = vector.broadcast %add3A_182 : i32 to vector<32x1xi32>
      %eq3A_184 = arith.cmpi eq, %eq3A_183, %sub3A_53 : vector<32x1xi32>
      %and3A_185 = vector.broadcast %eq3A_184 : vector<32x1xi1> to vector<32x782xi1>
      %and3A_186 = arith.andi %eq3A_54, %and3A_185 : vector<32x782xi1>
      %get3A_187 = arith.index_cast %add3A_182 : i32 to index
      %get3A_188 = arith.constant 0 : index
      %get3A_189 = arith.constant 0 : index
      %get3A_190 = vector.load %arg1[%get3A_187, %get3A_188, %get3A_189] : memref<128x32x782xf32, #tpu.memory_space<vmem>>, vector<1x32x782xf32>
      %get3A_191 = vector.shape_cast %get3A_190 : vector<1x32x782xf32> to vector<32x782xf32>
      %sub3A_192 = vector.broadcast %get3A_1 : vector<32x1xf32> to vector<32x782xf32>
      %sub3A_193 = arith.subf %get3A_191, %sub3A_192 : vector<32x782xf32>
      %exp3A_194 = math.exp %sub3A_193 : vector<32x782xf32>
      %div3A_195 = vector.broadcast %get3A_4 : vector<32x1xf32> to vector<32x782xf32>
      %div3A_196 = arith.divf %exp3A_194, %div3A_195 : vector<32x782xf32>
      %jit3A_197 = arith.constant 0.000000e+00 : f32
      %broadcast_in_dim3A_198 = vector.broadcast %jit3A_197 : f32 to vector<32x782xf32>
      %select_n3A_199 = arith.select %and3A_186, %div3A_196, %broadcast_in_dim3A_198 : vector<32x782xi1>, vector<32x782xf32>
      %add3A_200 = arith.addf %add3A_178, %select_n3A_199 : vector<32x782xf32>
      %mul3A_201 = arith.constant 16 : i32
      %mul3A_202 = arith.muli %scan3A_69, %mul3A_201 : i32
      %add3A_203 = arith.constant 6 : i32
      %add3A_204 = arith.addi %mul3A_202, %add3A_203 : i32
      %eq3A_205 = vector.broadcast %add3A_204 : i32 to vector<32x1xi32>
      %eq3A_206 = arith.cmpi eq, %eq3A_205, %sub3A_53 : vector<32x1xi32>
      %and3A_207 = vector.broadcast %eq3A_206 : vector<32x1xi1> to vector<32x782xi1>
      %and3A_208 = arith.andi %eq3A_54, %and3A_207 : vector<32x782xi1>
      %get3A_209 = arith.index_cast %add3A_204 : i32 to index
      %get3A_210 = arith.constant 0 : index
      %get3A_211 = arith.constant 0 : index
      %get3A_212 = vector.load %arg1[%get3A_209, %get3A_210, %get3A_211] : memref<128x32x782xf32, #tpu.memory_space<vmem>>, vector<1x32x782xf32>
      %get3A_213 = vector.shape_cast %get3A_212 : vector<1x32x782xf32> to vector<32x782xf32>
      %sub3A_214 = vector.broadcast %get3A_1 : vector<32x1xf32> to vector<32x782xf32>
      %sub3A_215 = arith.subf %get3A_213, %sub3A_214 : vector<32x782xf32>
      %exp3A_216 = math.exp %sub3A_215 : vector<32x782xf32>
      %div3A_217 = vector.broadcast %get3A_4 : vector<32x1xf32> to vector<32x782xf32>
      %div3A_218 = arith.divf %exp3A_216, %div3A_217 : vector<32x782xf32>
      %jit3A_219 = arith.constant 0.000000e+00 : f32
      %broadcast_in_dim3A_220 = vector.broadcast %jit3A_219 : f32 to vector<32x782xf32>
      %select_n3A_221 = arith.select %and3A_208, %div3A_218, %broadcast_in_dim3A_220 : vector<32x782xi1>, vector<32x782xf32>
      %add3A_222 = arith.addf %add3A_200, %select_n3A_221 : vector<32x782xf32>
      %mul3A_223 = arith.constant 16 : i32
      %mul3A_224 = arith.muli %scan3A_69, %mul3A_223 : i32
      %add3A_225 = arith.constant 7 : i32
      %add3A_226 = arith.addi %mul3A_224, %add3A_225 : i32
      %eq3A_227 = vector.broadcast %add3A_226 : i32 to vector<32x1xi32>
      %eq3A_228 = arith.cmpi eq, %eq3A_227, %sub3A_53 : vector<32x1xi32>
      %and3A_229 = vector.broadcast %eq3A_228 : vector<32x1xi1> to vector<32x782xi1>
      %and3A_230 = arith.andi %eq3A_54, %and3A_229 : vector<32x782xi1>
      %get3A_231 = arith.index_cast %add3A_226 : i32 to index
      %get3A_232 = arith.constant 0 : index
      %get3A_233 = arith.constant 0 : index
      %get3A_234 = vector.load %arg1[%get3A_231, %get3A_232, %get3A_233] : memref<128x32x782xf32, #tpu.memory_space<vmem>>, vector<1x32x782xf32>
      %get3A_235 = vector.shape_cast %get3A_234 : vector<1x32x782xf32> to vector<32x782xf32>
      %sub3A_236 = vector.broadcast %get3A_1 : vector<32x1xf32> to vector<32x782xf32>
      %sub3A_237 = arith.subf %get3A_235, %sub3A_236 : vector<32x782xf32>
      %exp3A_238 = math.exp %sub3A_237 : vector<32x782xf32>
      %div3A_239 = vector.broadcast %get3A_4 : vector<32x1xf32> to vector<32x782xf32>
      %div3A_240 = arith.divf %exp3A_238, %div3A_239 : vector<32x782xf32>
      %jit3A_241 = arith.constant 0.000000e+00 : f32
      %broadcast_in_dim3A_242 = vector.broadcast %jit3A_241 : f32 to vector<32x782xf32>
      %select_n3A_243 = arith.select %and3A_230, %div3A_240, %broadcast_in_dim3A_242 : vector<32x782xi1>, vector<32x782xf32>
      %add3A_244 = arith.addf %add3A_222, %select_n3A_243 : vector<32x782xf32>
      %mul3A_245 = arith.constant 16 : i32
      %mul3A_246 = arith.muli %scan3A_69, %mul3A_245 : i32
      %add3A_247 = arith.constant 8 : i32
      %add3A_248 = arith.addi %mul3A_246, %add3A_247 : i32
      %eq3A_249 = vector.broadcast %add3A_248 : i32 to vector<32x1xi32>
      %eq3A_250 = arith.cmpi eq, %eq3A_249, %sub3A_53 : vector<32x1xi32>
      %and3A_251 = vector.broadcast %eq3A_250 : vector<32x1xi1> to vector<32x782xi1>
      %and3A_252 = arith.andi %eq3A_54, %and3A_251 : vector<32x782xi1>
      %get3A_253 = arith.index_cast %add3A_248 : i32 to index
      %get3A_254 = arith.constant 0 : index
      %get3A_255 = arith.constant 0 : index
      %get3A_256 = vector.load %arg1[%get3A_253, %get3A_254, %get3A_255] : memref<128x32x782xf32, #tpu.memory_space<vmem>>, vector<1x32x782xf32>
      %get3A_257 = vector.shape_cast %get3A_256 : vector<1x32x782xf32> to vector<32x782xf32>
      %sub3A_258 = vector.broadcast %get3A_1 : vector<32x1xf32> to vector<32x782xf32>
      %sub3A_259 = arith.subf %get3A_257, %sub3A_258 : vector<32x782xf32>
      %exp3A_260 = math.exp %sub3A_259 : vector<32x782xf32>
      %div3A_261 = vector.broadcast %get3A_4 : vector<32x1xf32> to vector<32x782xf32>
      %div3A_262 = arith.divf %exp3A_260, %div3A_261 : vector<32x782xf32>
      %jit3A_263 = arith.constant 0.000000e+00 : f32
      %broadcast_in_dim3A_264 = vector.broadcast %jit3A_263 : f32 to vector<32x782xf32>
      %select_n3A_265 = arith.select %and3A_252, %div3A_262, %broadcast_in_dim3A_264 : vector<32x782xi1>, vector<32x782xf32>
      %add3A_266 = arith.addf %add3A_244, %select_n3A_265 : vector<32x782xf32>
      %mul3A_267 = arith.constant 16 : i32
      %mul3A_268 = arith.muli %scan3A_69, %mul3A_267 : i32
      %add3A_269 = arith.constant 9 : i32
      %add3A_270 = arith.addi %mul3A_268, %add3A_269 : i32
      %eq3A_271 = vector.broadcast %add3A_270 : i32 to vector<32x1xi32>
      %eq3A_272 = arith.cmpi eq, %eq3A_271, %sub3A_53 : vector<32x1xi32>
      %and3A_273 = vector.broadcast %eq3A_272 : vector<32x1xi1> to vector<32x782xi1>
      %and3A_274 = arith.andi %eq3A_54, %and3A_273 : vector<32x782xi1>
      %get3A_275 = arith.index_cast %add3A_270 : i32 to index
      %get3A_276 = arith.constant 0 : index
      %get3A_277 = arith.constant 0 : index
      %get3A_278 = vector.load %arg1[%get3A_275, %get3A_276, %get3A_277] : memref<128x32x782xf32, #tpu.memory_space<vmem>>, vector<1x32x782xf32>
      %get3A_279 = vector.shape_cast %get3A_278 : vector<1x32x782xf32> to vector<32x782xf32>
      %sub3A_280 = vector.broadcast %get3A_1 : vector<32x1xf32> to vector<32x782xf32>
      %sub3A_281 = arith.subf %get3A_279, %sub3A_280 : vector<32x782xf32>
      %exp3A_282 = math.exp %sub3A_281 : vector<32x782xf32>
      %div3A_283 = vector.broadcast %get3A_4 : vector<32x1xf32> to vector<32x782xf32>
      %div3A_284 = arith.divf %exp3A_282, %div3A_283 : vector<32x782xf32>
      %jit3A_285 = arith.constant 0.000000e+00 : f32
      %broadcast_in_dim3A_286 = vector.broadcast %jit3A_285 : f32 to vector<32x782xf32>
      %select_n3A_287 = arith.select %and3A_274, %div3A_284, %broadcast_in_dim3A_286 : vector<32x782xi1>, vector<32x782xf32>
      %add3A_288 = arith.addf %add3A_266, %select_n3A_287 : vector<32x782xf32>
      %mul3A_289 = arith.constant 16 : i32
      %mul3A_290 = arith.muli %scan3A_69, %mul3A_289 : i32
      %add3A_291 = arith.constant 10 : i32
      %add3A_292 = arith.addi %mul3A_290, %add3A_291 : i32
      %eq3A_293 = vector.broadcast %add3A_292 : i32 to vector<32x1xi32>
      %eq3A_294 = arith.cmpi eq, %eq3A_293, %sub3A_53 : vector<32x1xi32>
      %and3A_295 = vector.broadcast %eq3A_294 : vector<32x1xi1> to vector<32x782xi1>
      %and3A_296 = arith.andi %eq3A_54, %and3A_295 : vector<32x782xi1>
      %get3A_297 = arith.index_cast %add3A_292 : i32 to index
      %get3A_298 = arith.constant 0 : index
      %get3A_299 = arith.constant 0 : index
      %get3A_300 = vector.load %arg1[%get3A_297, %get3A_298, %get3A_299] : memref<128x32x782xf32, #tpu.memory_space<vmem>>, vector<1x32x782xf32>
      %get3A_301 = vector.shape_cast %get3A_300 : vector<1x32x782xf32> to vector<32x782xf32>
      %sub3A_302 = vector.broadcast %get3A_1 : vector<32x1xf32> to vector<32x782xf32>
      %sub3A_303 = arith.subf %get3A_301, %sub3A_302 : vector<32x782xf32>
      %exp3A_304 = math.exp %sub3A_303 : vector<32x782xf32>
      %div3A_305 = vector.broadcast %get3A_4 : vector<32x1xf32> to vector<32x782xf32>
      %div3A_306 = arith.divf %exp3A_304, %div3A_305 : vector<32x782xf32>
      %jit3A_307 = arith.constant 0.000000e+00 : f32
      %broadcast_in_dim3A_308 = vector.broadcast %jit3A_307 : f32 to vector<32x782xf32>
      %select_n3A_309 = arith.select %and3A_296, %div3A_306, %broadcast_in_dim3A_308 : vector<32x782xi1>, vector<32x782xf32>
      %add3A_310 = arith.addf %add3A_288, %select_n3A_309 : vector<32x782xf32>
      %mul3A_311 = arith.constant 16 : i32
      %mul3A_312 = arith.muli %scan3A_69, %mul3A_311 : i32
      %add3A_313 = arith.constant 11 : i32
      %add3A_314 = arith.addi %mul3A_312, %add3A_313 : i32
      %eq3A_315 = vector.broadcast %add3A_314 : i32 to vector<32x1xi32>
      %eq3A_316 = arith.cmpi eq, %eq3A_315, %sub3A_53 : vector<32x1xi32>
      %and3A_317 = vector.broadcast %eq3A_316 : vector<32x1xi1> to vector<32x782xi1>
      %and3A_318 = arith.andi %eq3A_54, %and3A_317 : vector<32x782xi1>
      %get3A_319 = arith.index_cast %add3A_314 : i32 to index
      %get3A_320 = arith.constant 0 : index
      %get3A_321 = arith.constant 0 : index
      %get3A_322 = vector.load %arg1[%get3A_319, %get3A_320, %get3A_321] : memref<128x32x782xf32, #tpu.memory_space<vmem>>, vector<1x32x782xf32>
      %get3A_323 = vector.shape_cast %get3A_322 : vector<1x32x782xf32> to vector<32x782xf32>
      %sub3A_324 = vector.broadcast %get3A_1 : vector<32x1xf32> to vector<32x782xf32>
      %sub3A_325 = arith.subf %get3A_323, %sub3A_324 : vector<32x782xf32>
      %exp3A_326 = math.exp %sub3A_325 : vector<32x782xf32>
      %div3A_327 = vector.broadcast %get3A_4 : vector<32x1xf32> to vector<32x782xf32>
      %div3A_328 = arith.divf %exp3A_326, %div3A_327 : vector<32x782xf32>
      %jit3A_329 = arith.constant 0.000000e+00 : f32
      %broadcast_in_dim3A_330 = vector.broadcast %jit3A_329 : f32 to vector<32x782xf32>
      %select_n3A_331 = arith.select %and3A_318, %div3A_328, %broadcast_in_dim3A_330 : vector<32x782xi1>, vector<32x782xf32>
      %add3A_332 = arith.addf %add3A_310, %select_n3A_331 : vector<32x782xf32>
      %mul3A_333 = arith.constant 16 : i32
      %mul3A_334 = arith.muli %scan3A_69, %mul3A_333 : i32
      %add3A_335 = arith.constant 12 : i32
      %add3A_336 = arith.addi %mul3A_334, %add3A_335 : i32
      %eq3A_337 = vector.broadcast %add3A_336 : i32 to vector<32x1xi32>
      %eq3A_338 = arith.cmpi eq, %eq3A_337, %sub3A_53 : vector<32x1xi32>
      %and3A_339 = vector.broadcast %eq3A_338 : vector<32x1xi1> to vector<32x782xi1>
      %and3A_340 = arith.andi %eq3A_54, %and3A_339 : vector<32x782xi1>
      %get3A_341 = arith.index_cast %add3A_336 : i32 to index
      %get3A_342 = arith.constant 0 : index
      %get3A_343 = arith.constant 0 : index
      %get3A_344 = vector.load %arg1[%get3A_341, %get3A_342, %get3A_343] : memref<128x32x782xf32, #tpu.memory_space<vmem>>, vector<1x32x782xf32>
      %get3A_345 = vector.shape_cast %get3A_344 : vector<1x32x782xf32> to vector<32x782xf32>
      %sub3A_346 = vector.broadcast %get3A_1 : vector<32x1xf32> to vector<32x782xf32>
      %sub3A_347 = arith.subf %get3A_345, %sub3A_346 : vector<32x782xf32>
      %exp3A_348 = math.exp %sub3A_347 : vector<32x782xf32>
      %div3A_349 = vector.broadcast %get3A_4 : vector<32x1xf32> to vector<32x782xf32>
      %div3A_350 = arith.divf %exp3A_348, %div3A_349 : vector<32x782xf32>
      %jit3A_351 = arith.constant 0.000000e+00 : f32
      %broadcast_in_dim3A_352 = vector.broadcast %jit3A_351 : f32 to vector<32x782xf32>
      %select_n3A_353 = arith.select %and3A_340, %div3A_350, %broadcast_in_dim3A_352 : vector<32x782xi1>, vector<32x782xf32>
      %add3A_354 = arith.addf %add3A_332, %select_n3A_353 : vector<32x782xf32>
      %mul3A_355 = arith.constant 16 : i32
      %mul3A_356 = arith.muli %scan3A_69, %mul3A_355 : i32
      %add3A_357 = arith.constant 13 : i32
      %add3A_358 = arith.addi %mul3A_356, %add3A_357 : i32
      %eq3A_359 = vector.broadcast %add3A_358 : i32 to vector<32x1xi32>
      %eq3A_360 = arith.cmpi eq, %eq3A_359, %sub3A_53 : vector<32x1xi32>
      %and3A_361 = vector.broadcast %eq3A_360 : vector<32x1xi1> to vector<32x782xi1>
      %and3A_362 = arith.andi %eq3A_54, %and3A_361 : vector<32x782xi1>
      %get3A_363 = arith.index_cast %add3A_358 : i32 to index
      %get3A_364 = arith.constant 0 : index
      %get3A_365 = arith.constant 0 : index
      %get3A_366 = vector.load %arg1[%get3A_363, %get3A_364, %get3A_365] : memref<128x32x782xf32, #tpu.memory_space<vmem>>, vector<1x32x782xf32>
      %get3A_367 = vector.shape_cast %get3A_366 : vector<1x32x782xf32> to vector<32x782xf32>
      %sub3A_368 = vector.broadcast %get3A_1 : vector<32x1xf32> to vector<32x782xf32>
      %sub3A_369 = arith.subf %get3A_367, %sub3A_368 : vector<32x782xf32>
      %exp3A_370 = math.exp %sub3A_369 : vector<32x782xf32>
      %div3A_371 = vector.broadcast %get3A_4 : vector<32x1xf32> to vector<32x782xf32>
      %div3A_372 = arith.divf %exp3A_370, %div3A_371 : vector<32x782xf32>
      %jit3A_373 = arith.constant 0.000000e+00 : f32
      %broadcast_in_dim3A_374 = vector.broadcast %jit3A_373 : f32 to vector<32x782xf32>
      %select_n3A_375 = arith.select %and3A_362, %div3A_372, %broadcast_in_dim3A_374 : vector<32x782xi1>, vector<32x782xf32>
      %add3A_376 = arith.addf %add3A_354, %select_n3A_375 : vector<32x782xf32>
      %mul3A_377 = arith.constant 16 : i32
      %mul3A_378 = arith.muli %scan3A_69, %mul3A_377 : i32
      %add3A_379 = arith.constant 14 : i32
      %add3A_380 = arith.addi %mul3A_378, %add3A_379 : i32
      %eq3A_381 = vector.broadcast %add3A_380 : i32 to vector<32x1xi32>
      %eq3A_382 = arith.cmpi eq, %eq3A_381, %sub3A_53 : vector<32x1xi32>
      %and3A_383 = vector.broadcast %eq3A_382 : vector<32x1xi1> to vector<32x782xi1>
      %and3A_384 = arith.andi %eq3A_54, %and3A_383 : vector<32x782xi1>
      %get3A_385 = arith.index_cast %add3A_380 : i32 to index
      %get3A_386 = arith.constant 0 : index
      %get3A_387 = arith.constant 0 : index
      %get3A_388 = vector.load %arg1[%get3A_385, %get3A_386, %get3A_387] : memref<128x32x782xf32, #tpu.memory_space<vmem>>, vector<1x32x782xf32>
      %get3A_389 = vector.shape_cast %get3A_388 : vector<1x32x782xf32> to vector<32x782xf32>
      %sub3A_390 = vector.broadcast %get3A_1 : vector<32x1xf32> to vector<32x782xf32>
      %sub3A_391 = arith.subf %get3A_389, %sub3A_390 : vector<32x782xf32>
      %exp3A_392 = math.exp %sub3A_391 : vector<32x782xf32>
      %div3A_393 = vector.broadcast %get3A_4 : vector<32x1xf32> to vector<32x782xf32>
      %div3A_394 = arith.divf %exp3A_392, %div3A_393 : vector<32x782xf32>
      %jit3A_395 = arith.constant 0.000000e+00 : f32
      %broadcast_in_dim3A_396 = vector.broadcast %jit3A_395 : f32 to vector<32x782xf32>
      %select_n3A_397 = arith.select %and3A_384, %div3A_394, %broadcast_in_dim3A_396 : vector<32x782xi1>, vector<32x782xf32>
      %add3A_398 = arith.addf %add3A_376, %select_n3A_397 : vector<32x782xf32>
      %mul3A_399 = arith.constant 16 : i32
      %mul3A_400 = arith.muli %scan3A_69, %mul3A_399 : i32
      %add3A_401 = arith.constant 15 : i32
      %add3A_402 = arith.addi %mul3A_400, %add3A_401 : i32
      %eq3A_403 = vector.broadcast %add3A_402 : i32 to vector<32x1xi32>
      %eq3A_404 = arith.cmpi eq, %eq3A_403, %sub3A_53 : vector<32x1xi32>
      %and3A_405 = vector.broadcast %eq3A_404 : vector<32x1xi1> to vector<32x782xi1>
      %and3A_406 = arith.andi %eq3A_54, %and3A_405 : vector<32x782xi1>
      %get3A_407 = arith.index_cast %add3A_402 : i32 to index
      %get3A_408 = arith.constant 0 : index
      %get3A_409 = arith.constant 0 : index
      %get3A_410 = vector.load %arg1[%get3A_407, %get3A_408, %get3A_409] : memref<128x32x782xf32, #tpu.memory_space<vmem>>, vector<1x32x782xf32>
      %get3A_411 = vector.shape_cast %get3A_410 : vector<1x32x782xf32> to vector<32x782xf32>
      %sub3A_412 = vector.broadcast %get3A_1 : vector<32x1xf32> to vector<32x782xf32>
      %sub3A_413 = arith.subf %get3A_411, %sub3A_412 : vector<32x782xf32>
      %exp3A_414 = math.exp %sub3A_413 : vector<32x782xf32>
      %div3A_415 = vector.broadcast %get3A_4 : vector<32x1xf32> to vector<32x782xf32>
      %div3A_416 = arith.divf %exp3A_414, %div3A_415 : vector<32x782xf32>
      %jit3A_417 = arith.constant 0.000000e+00 : f32
      %broadcast_in_dim3A_418 = vector.broadcast %jit3A_417 : f32 to vector<32x782xf32>
      %select_n3A_419 = arith.select %and3A_406, %div3A_416, %broadcast_in_dim3A_418 : vector<32x782xi1>, vector<32x782xf32>
      %add3A_420 = arith.addf %add3A_398, %select_n3A_419 : vector<32x782xf32>
      scf.yield %add3A_420 : vector<32x782xf32>
    }
    %scan3A_62 = arith.constant 8 : i32
    %reduce_sum3A_63 = arith.constant dense<0.000000e+00> : vector<32xf32>
    %reduce_sum3A_64 = vector.multi_reduction <add>, %scan3A_61, %reduce_sum3A_63 [1] : vector<32x782xf32> to vector<32xf32>
    %broadcast_in_dim3A_65 = vector.shape_cast %reduce_sum3A_64 : vector<32xf32> to vector<32x1xf32>
    %swap3A_66 = arith.constant 0 : index
    %swap3A_67 = arith.constant 0 : index
    %swap3A_68 = vector.load %arg7[%swap3A_66, %swap3A_67] : memref<32x1xf32, #tpu.memory_space<vmem>>, vector<32x1xf32>
    tpu.vector_store %arg7[%swap3A_66, %swap3A_67], %broadcast_in_dim3A_65 {strides = array<i32>} : memref<32x1xf32, #tpu.memory_space<vmem>>, vector<32x1xf32>,
    return
  }
  func.func @transform_0(%arg0: i32) -> (i32, i32, i32) {
    %c0_i32 = arith.constant 0 : i32
    %c0_i32_0 = arith.constant 0 : i32
    %c0_i32_1 = arith.constant 0 : i32
    return %c0_i32, %arg0, %c0_i32_0 : i32, i32, i32
  }
  func.func @transform_1(%arg0: i32) -> (i32, i32) {
    %c0_i32 = arith.constant 0 : i32
    %c0_i32_0 = arith.constant 0 : i32
    return %arg0, %c0_i32 : i32, i32
  }
  func.func @transform_2(%arg0: i32) -> (i32, i32) {
    %c0_i32 = arith.constant 0 : i32
    %c0_i32_0 = arith.constant 0 : i32
    return %arg0, %c0_i32 : i32, i32
  }
  func.func @transform_3(%arg0: i32) -> (i32, i32) {
    %c0_i32 = arith.constant 0 : i32
    %c0_i32_0 = arith.constant 0 : i32
    return %arg0, %c0_i32 : i32, i32
  }
  func.func @transform_4(%arg0: i32) -> (i32, i32) {
    %c0_i32 = arith.constant 0 : i32
    %c0_i32_0 = arith.constant 0 : i32
    return %arg0, %c0_i32 : i32, i32
  }
  func.func @transform_5(%arg0: i32) -> (i32, i32) {
    %c0_i32 = arith.constant 0 : i32
    %c0_i32_0 = arith.constant 0 : i32
    return %arg0, %c0_i32 : i32, i32
  }
  func.func @transform_6(%arg0: i32) -> (i32, i32) {
    %c0_i32 = arith.constant 0 : i32
    %c0_i32_0 = arith.constant 0 : i32
    return %arg0, %c0_i32 : i32, i32
  }
}

</mosaic_0001>

<sc_bundles>
// kernel: sparse-core-data-format-call.cloned.1.call-start
scs
called_computation_lowered:
.L_overlay_start_0:
0x0: {  	s1 =	sld [smem:$0x3FD9]  }
0x1: {  	s2 =	sld [smem:$0x3FFE];
	_ =	sdelay $0x1  }
0x2: {  	s3 =	srdreg.scid  }
0x3: {  	s0 =	sand.u32 $0x1, s3  }
0x4: {  	s17 =	sshll.u32 s0, $0xA;
	s1 =	sadd.s32 s2, s1  }
0x5: {  	s1 =	sadd.s32 s1, s17  }
0x6: {  	[smem:$0x3FC6] =	sst s1  }
0x7: {  	_ = 	snop  }
0x8: {  	(tm) =	ssettm $0x1  }
0x9: {  	s18 =	sld [smem:$0x3FFB];
	_ =	sdelay $0x3  }
0xa: {  	_ =	strace s18  }
0xb: {  	s1 =	sld [smem:$0x3FFC];
	_ =	sdelay $0x3  }
0xc: {  	_ =	strace s1  }
0xd: {  	s1 =	sld [smem:$0x3FFD];
	_ =	sdelay $0x3  }
0xe: {  	_ =	strace s1  }
0xf: {  	_ =	strace $0x8FFFFFFF  }
0x10: {  	s19 =	sld [smem:$0x3FDB];
	_ =	sdelay $0x1  }
0x11: {  	s20 =	simm.s32 $_scs_section_size  }
0x12: {  	s4 =	simm.s32 $_size__tile_overlayer_lowered;
	s5 =	simm.s32 $_tile_overlayer_lowered  }
0x13: {  	s23 =	simm.s32 $0x1BFF;
	s22 =	sshll.u32 s5, $0x1;
	s1 =	sadd.s32 s20, s19  }
0x14: {  	s6 =	simm.s32 $0x0;
	s21 =	sshll.u32 s4, $0x1;
	s4 =	sadd.s32 s22, s1  }
0x15: {  	[timem:s6], [sflag:s23] =	dma.local [hbm:s4], s21  }
0x16: {  	_ =	swait.ge [sflag:s23], s21  }
0x17: {  	s2 =	ssub.s32 $0x0, s21;
	[sflag:s23] =	ssyncset.done $0x0  }
0x18: {  	[sflag:s23] =	ssyncadd.s32 s2;
	_ =	sdelay $0x1  }
0x19: {  	s24 =	simm.s32 $0x1B8B  }
0x1a: {  	_ =	swait.ge [sflag:s24], $0x1  }
0x1b: {  	[sflag:s24] =	ssyncset.done $0x0  }
0x1c: {  	s26 =	simm.s32 $0x1B8E;
	s25 =	sld [smem:$0x3FFE];
	[sflag:s24] =	ssyncadd.s32 $0xFFFFFFFF  }
0x1d: {  	s27 =	simm.s32 $execute0_lowered;
	[smem:$0x3FD2] =	sst s26  }
0x1e: {  	s4 =	sshll.u32 s27, $0x1;
	_ =	strace $0x80000046;
	[dreg:$0x1] =	wrdreg $0xFFFFFFFF  }
0x1f: {  	s28 =	simm.s32 $_size_execute0_lowered;
	s1 =	sadd.s32 s1, s4;
	[dreg:$0x0] =	wrdreg $0x0  }
0x20: {  	s4 =	sshll.u32 s28, $0x1;
	[dreg:$0x2] =	wrdreg s1  }
0x21: {  	[dreg:$0x3] =	wrdreg s4  }
0x22: {  	[dreg:$0x4] =	wrdreg $0xC0  }
0x23: {  	_ =	task [dreg:s6], $0x5FFFF  }
0x24: {  	[dreg:$0x1] =	wrdreg $0xFFFFFFFF  }
0x25: {  	[dreg:$0x0] =	wrdreg $0x60  }
0x26: {  	[dreg:$0x2] =	wrdreg s25  }
0x27: {  	[dreg:$0x3] =	wrdreg $0x9  }
0x28: {  	_ =	task.clear_ibuf [dreg:s6], $0x4FFFF;
	_ =	strace $0x90000046  }
0x29: {  	s29 =	simm.s32 $0x9;
	_ =	strace $0x80000048  }
0x2a: {  	_ =	swait.ge [sflag:s29], $0x1  }
0x2b: {  	[sflag:s29] =	ssyncadd.s32 $0xFFFFFFFF  }
0x2c: {  	_ =	strace $0x90000048  }
0x2d: {  	_ =	sfence  }
0x2e: {  	s30 =	sld [smem:$0x0];
	_ =	sdelay $0x2  }
0x2f: {  	s31 =	sshll.u32 s3, $0xD;
	s3 =	sshrl.u32 s3, $0x2  }
0x30: {  	s2 =	sand.u32 $0x4000, s31;
	s1 =	sadd.s32 s3, s30  }
0x31: {  	s0 =	sor.u32 s2, s0;
	s1 =	sshll.u32 s1, $0x11  }
0x32: {  	s0 =	sor.u32 s1, s0  }
0x33: {  	s0 =	sadd.s32 $0x8F2B, s0  }
0x34: {  	[sflag:s0] =	ssyncadd.remote.s32 $0x1  }
0x35: {  	_ =	sfence.sel $0xFFFF  }
0x36: {  	[dreg:$0x0] =	wrdreg $0xFFFFFFFF;
	(pc) =	sbr.abs _section_cstart, $3  }
0x37: {  	[dreg:$0x1] =	wrdreg $0xFFFFFFFF  }
0x38: {  	_ =	task.clear_ibuf [dreg:s6], $0x2FFFF;
	_ =	strace $0x9FFFFFFF  }
0x39: {  	(tm) =	ssettm $0x7FFFFFFF  }
tec
execute0_lowered:
.L_overlay_start_1:
0x0: {  	(tag) =	ssettag $0x1  }
0x1: {  	s2 =	rddreg [dreg:$0x0]  }
0x2: {  	s0 =	rddreg [dreg:$0x1];
	_ =	strace $0x80000047  }
0x3: {  	s3 =	srdreg.scid;
	s1 =	stileid.u32;
	s6 =	simm.s32 $0x2  }
.Ltmp0:
0x4: {  	s10 =	simm.s32 $0x0;
	p0 =	por $0x0, $0x0;
	(pc) =	sbr.rel .LBB1_1-.Ltmp0, $4  }
0x5: {  	s11 =	simm.s32 $0x0;
	s9 =	simm.s32 $0x0;
	s4 =	sshll.u32 s3, $0x4  }
0x6: {  	s7 =	simm.s32 $0x0;
	s3 =	simm.s32 $0x1;
	s5 =	sand.u32 $0x10, s4  }
0x7: {  	[sflag:s3] =	ssyncpa.u1 $0x0;
	s4 =	sadd.s32 $0x187000, s2;
	s5 =	sor.u32 s1, s5  }
0x8: {  	[sflag:s6] =	ssyncpa.u1 $0x0;
	s6 =	simm.s32 $0x1C00;
	s8 =	smov.u32 s5  }
.LBB1_5:
0x9: {  	s12 =	sadd.s32 $0x20, s8  }
0xa: {  	s10 =	sadd.s32 $0x80, s9;
	s14 =	smov.u32 s9;
	p2 =	sgt.s32 s12, $0x7F  }
0xb: {  	p1 =	slt.u32 s7, $0x2;
	s14 =	smov.u32 @p2 s10  }
0xc: {  	s7 =	sadd.s32 $0x1, s7;
	s12 =	smov.u32 @p2 s5;
	p2 =	sgt.s32 s14, $0x30D  }
0xd: {  	s14 =	simm.s32 @p2 $0x0;
	p2 =	sne.s32 s7, $0x1E  }
.Ltmp1:
0xe: {  	_ = 	snop;
	(pc) =	sbr.rel @!p2 .LBB1_6-.Ltmp1, $4  }
0xf: {  	s13 =	simm.s32 @!p1 $0x2  }
0x10: {  	s11 =	smov.u32 s9;
	_ =	swait.ge @!p1 [sflag:s13], $0x4000  }
0x11: {  	p0 =	por !p0, !p0;
	s10 =	smov.u32 s8;
	[sflag:s13] =	ssyncset.done @!p1 $0x0  }
0x12: {  	s8 =	smov.u32 s12;
	[sflag:s13] =	ssyncadd.s32 @!p1 $0xFFFFC000;
	s9 =	smov.u32 s14  }
.LBB1_1:
0x13: {  	p1 =	sgt.u32 s7, $0x1B  }
0x14: {  	p2 =	sgt.s32 @!p1 s9, $0x28E  }
0x15: {  	s12 =	smov.u32 s9;
	s14 =	smov.u32 s8;
	p2 =	por !p2, p1  }
0x16: {  	s13 =	sshra.s32 @!p1 s9, $0x1F;
	s12 =	simm.s32 @p2 $0x28E;
	p2 =	sgt.s32 @!p1 s8, $0x7F  }
0x17: {  	s15 =	sshra.s32 @!p1 s8, $0x1F;
	s13 =	sand.u32 @!p1 s13, s9;
	p2 =	por !p2, p1  }
0x18: {  	s12 =	ssub.s32 @!p1 s12, s13;
	s13 =	sand.u32 @!p1 s15, s8;
	s14 =	simm.s32 @p2 $0x7F  }
0x19: {  	s15 =	sshll.u32 @!p1 s8, $0x4;
	s12 =	sadd.s32 @!p1 $0xFFFFFD72, s12;
	s13 =	ssub.s32 @!p1 s14, s13  }
0x1a: {  	p2 =	sgt.s32 @!p1 s12, $0x7F;
	s12 =	sshll.u32 @!p1 s12, $0x7;
	s14 =	sadd.s32 @!p1 $0xFFFFFF81, s13  }
0x1b: {  	s13 =	ssub.s32 @!p1 $0x80, s13;
	s12 =	ssub.s32 @!p1 $0x4000, s12;
	p3 =	sgt.s32 @!p1 s14, $0x0  }
0x1c: {  	p2 =	por !p2, p1;
	s14 =	sxor.u32 @!p1 $0xFFFFFFFF, s7;
	p3 =	por !p3, p1  }
0x1d: {  	s12 =	simm.s32 @!p2 $0x0;
	s14 =	sshll.u32 @!p1 s14, $0xE;
	s13 =	simm.s32 @!p3 $0x0  }
0x1e: {  	s12 =	smul.u32 @!p1 s13, s12;
	s13 =	sand.u32 @!p1 $0x4000, s14;
	s14 =	sshll.u32 @!p1 s9, $0xB  }
0x1f: {  	s16 =	simm.s32 @!p1 $0x4000;
	s15 =	sand.u32 @!p1 $0x7F0, s15;
	s14 =	sadd.s32 @!p1 s2, s14  }
0x20: {  	s12 =	sand.u32 @!p1 $0x3FFFFF80, s12;
	s14 =	sadd.s32 @!p1 s15, s14;
	s15 =	simm.s32 @!p1 $0x80  }
0x21: {  	[tilespmem:s13], [sflag:$0x1] =	stream.strided.gather @!p1 [hbm4b:s14+s15], s12, s16, s15, $0x38;
	[tilespmem:$0x10100] =	vst v63  }
0x22: {  	p1 =	seq.s32 s7, $0x0  }
0x23: {  	p2 =	seq.s32 @!p1 s7, $0x1D  }
0x24: {  	p1 =	por p1, p2  }
.Ltmp2:
0x25: {  	_ = 	snop;
	(pc) =	sbr.rel @p1 .LBB1_5-.Ltmp2, $1  }
0x26: {  	_ =	sdelay $0x3  }
0x27: {  	p1 =	sgt.s32 s11, $0x28E;
	s12 =	smov.u32 s11  }
0x28: {  	s13 =	sshra.s32 s11, $0x1F;
	s14 =	smov.u32 s10;
	s15 =	sshra.s32 s10, $0x1F  }
0x29: {  	s12 =	simm.s32 @!p1 $0x28E;
	s13 =	sand.u32 s13, s11;
	p1 =	sgt.s32 s10, $0x7F  }
0x2a: {  	s27 =	sand.u32 s15, s10;
	s12 =	ssub.s32 s12, s13;
	s14 =	simm.s32 @!p1 $0x7F  }
0x2b: {  	s12 =	sadd.s32 $0xFFFFFD72, s12;
	s13 =	ssub.s32 s14, s27  }
0x2c: {  	p1 =	sgt.s32 s12, $0x7F;
	s14 =	sadd.s32 $0xFFFFFF81, s13;
	s12 =	sshll.u32 s12, $0x7  }
0x2d: {  	s13 =	ssub.s32 $0x80, s13;
	p2 =	sgt.s32 s14, $0x0;
	s12 =	ssub.s32 $0x4000, s12  }
0x2e: {  	s13 =	simm.s32 @p2 $0x0;
	s12 =	simm.s32 @p1 $0x0  }
0x2f: {  	s12 =	smul.u32 s13, s12;
	_ =	sdelay $0x1  }
0x30: {  	s13 =	simm.s32 $0x1;
	s12 =	sand.u32 $0x3FFFFF80, s12  }
0x31: {  	s13 =	simm.s32 @!p0 $0x0;
	_ =	swait.ge [sflag:s3], s12  }
0x32: {  	s28 =	sshll.u32 s13, $0xE;
	s12 =	ssub.s32 $0x0, s12;
	[sflag:s3] =	ssyncset.done $0x0  }
0x33: {  	s29 =	sor.u32 $0x40, s28;
	[sflag:s3] =	ssyncadd.s32 s12  }
0x34: {  	s30 =	smul.u32 $0x10200, s13;
	v0 =	vld [tilespmem:s29+$0x30]  }
0x35: {  	v1 =	vld [tilespmem:s29+$0xFFFFFFD0]  }
0x36: {  	s12 =	sshrl.u32 s30, $0x2;
	v5 =	vld [tilespmem:s29+$0xFFFFFFE0]  }
0x37: {  	s13 =	sor.u32 $0x8000, s12;
	v6 =	vld [tilespmem:s29+$0xFFFFFFF0]  }
0x38: {  	s31 =	sand.u32 $0x1, s7;
	v2 =	vld [tilespmem:s29+$0x0];
	s14 =	sadd.s32 $0x0, s13  }
0x39: {  	s12 =	smul.u32 $0x10200, s31;
	v4 =	vld [tilespmem:s29+$0x10];
	[tilespmem:s14+$0x3870 ss:$0x81] =	vst.msk $0xffff, v0  }
0x3a: {  	v3 =	vld [tilespmem:s29+$0x20];
	[tilespmem:s14+$0x810 ss:$0x81] =	vst.msk $0xffff, v1  }
0x3b: {  	s15 =	sadd.s32 $0x80, s29;
	s12 =	sshrl.u32 s12, $0x2;
	v0 =	vld [tilespmem:s29+$0xFFFFFFC0];
	[tilespmem:s14+$0x1020 ss:$0x81] =	vst.msk $0xffff, v5  }
0x3c: {  	s16 =	simm.s32 $0x4;
	s17 =	simm.s32 $0x8;
	s12 =	sor.u32 $0x8000, s12;
	v1 =	vld [tilespmem:s15+$0x30];
	[tilespmem:s14+$0x1830 ss:$0x81] =	vst.msk $0xffff, v6  }
.LBB1_3:
0x3d: {  	p1 =	sne.s32 s17, $0x1FC;
	v5 =	vld [tilespmem:s15+$0xFFFFFFD0];
	[tilespmem:s14+$0x2040 ss:$0x81] =	vst.msk $0xffff, v2  }
0x3e: {  	v6 =	vld [tilespmem:s15+$0xFFFFFFE0];
	[tilespmem:s14+$0x2850 ss:$0x81] =	vst.msk $0xffff, v4  }
0x3f: {  	s18 =	sshra.s32 s16, $0x2;
	s16 =	smov.u32 s17;
	v7 =	vld [tilespmem:s15+$0xFFFFFFF0];
	[tilespmem:s14+$0x3060 ss:$0x81] =	vst.msk $0xffff, v3  }
.Ltmp3:
0x40: {  	v2 =	vld [tilespmem:s15+$0x0];
	[tilespmem:s14+$0x0 ss:$0x81] =	vst.msk $0xffff, v0;
	s14 =	sadd.s32 s18, s13;
	(pc) =	sbr.rel @p1 .LBB1_3-.Ltmp3, $4  }
0x41: {  	v4 =	vld [tilespmem:s15+$0x10];
	[tilespmem:s14+$0x3870 ss:$0x81] =	vst.msk $0xffff, v1  }
0x42: {  	[tilespmem:s14+$0x810 ss:$0x81] =	vst.msk $0xffff, v5;
	v3 =	vld [tilespmem:s15+$0x20]  }
0x43: {  	v0 =	vld [tilespmem:s15+$0xFFFFFFC0];
	[tilespmem:s14+$0x1020 ss:$0x81] =	vst.msk $0xffff, v6;
	s15 =	sadd.s32 $0x80, s15  }
0x44: {  	s17 =	sadd.s32 $0x4, s17;
	v1 =	vld [tilespmem:s15+$0x30];
	[tilespmem:s14+$0x1830 ss:$0x81] =	vst.msk $0xffff, v7  }
0x45: {  	v5 =	vld [tilespmem:s15+$0xFFFFFFD0];
	[tilespmem:s14+$0x2040 ss:$0x81] =	vst.msk $0xffff, v2  }
0x46: {  	v58 =	vld [tilespmem:s15+$0xFFFFFFE0];
	s17 =	sshll.u32 s11, $0x3;
	[tilespmem:s14+$0x2850 ss:$0x81] =	vst.msk $0xffff, v4  }
0x47: {  	s16 =	sshra.s32 s16, $0x2;
	v59 =	vld [tilespmem:s15+$0xFFFFFFF0];
	s17 =	sand.u32 $0xFFFFFC00, s17;
	[tilespmem:s14+$0x3060 ss:$0x81] =	vst.msk $0xffff, v3  }
0x48: {  	v60 =	vld [tilespmem:s15+$0x0];
	s13 =	sadd.s32 s16, s13;
	s27 =	sshrl.u32 s17, $0x7;
	[tilespmem:s14+$0x0 ss:$0x81] =	vst.msk $0xffff, v0  }
0x49: {  	v61 =	vld [tilespmem:s15+$0x10];
	s14 =	smulhi.u32 $0x24924925, s27;
	[tilespmem:s13+$0x3870 ss:$0x81] =	vst.msk $0xffff, v1  }
0x4a: {  	v62 =	vld [tilespmem:s15+$0x20];
	s10 =	smul.u32 $0x3800, s10;
	[tilespmem:s13+$0x810 ss:$0x81] =	vst.msk $0xffff, v5  }
0x4b: {  	v63 =	vld [tilespmem:s15+$0xFFFFFFC0];
	s28 =	sand.u32 $0x7F, s11;
	[tilespmem:s13+$0x1020 ss:$0x81] =	vst.msk $0xffff, v58;
	s29 =	smul.u32 $0x380, s14;
	s14 =	sand.u32 $0x7F, s14  }
0x4c: {  	s11 =	sor.u32 s28, s17;
	[tilespmem:s13+$0x1830 ss:$0x81] =	vst.msk $0xffff, v59;
	s14 =	smul.u32 $0x70, s14  }
.Ltmp4:
0x4d: {  	[tilespmem:s13+$0x2040 ss:$0x81] =	vst.msk $0xffff, v60;
	s11 =	ssub.s32 s11, s29;
	(pc) =	sbr.rel .LBB1_5-.Ltmp4, $4  }
0x4e: {  	s10 =	sadd.s32 s4, s10;
	[tilespmem:s13+$0x2850 ss:$0x81] =	vst.msk $0xffff, v61;
	s15 =	sand.u32 $0x7, s11  }
0x4f: {  	[tilespmem:s13+$0x3060 ss:$0x81] =	vst.msk $0xffff, v62;
	s11 =	sshrl.u32 s11, $0x3;
	s10 =	sadd.s32 s14, s10;
	s30 =	sshll.u32 s15, $0x12  }
0x50: {  	[tilespmem:s13+$0x0 ss:$0x81] =	vst.msk $0xffff, v63;
	s10 =	sadd.s32 s11, s10;
	s31 =	sor.u32 $0x400, s30  }
0x51: {  	[hbm4b:s10+s31] =	stream.strided.scatter [tilespmem:s12], [sflag:$0x2], $0x4000, s6, s31, $0x20;
	[tilespmem:$0x10100] =	vst v63  }
.LBB1_6:
0x52: {  	_ =	sfence.sel $0x180000  }
0x53: {  	s2 =	simm.s32 $0x1;
	[bflag:$0x0] =	sbarrier.arrive $0xFFFF  }
0x54: {  	s31 =	simm.s32 $0x2;
	[sflag:s2] =	ssyncpa.u1 $0x1  }
0x55: {  	[sflag:s31] =	ssyncpa.u1 $0x1  }
0x56: {  	p0 =	sne.s32 s1, $0x0;
	_ =	strace $0x90000047  }
0x57: {  	s0 =	sadd.s32 @!p0 $0x100000, s0;
	[bflag:$0x2] =	sbarrier.arrive $0xFFFF  }
0x58: {  	[sflag:s0] =	ssyncadd.tile.s32 @!p0 $0x1;
	_ =	shalt  }
.Lfunc_end1:
_tile_overlayer_lowered:
.L_overlay_start_2:
0x59: {  	(tag) =	ssettag $0x2  }
0x5a: {  	s0 =	rddreg [dreg:$0x0];
	s2 =	stileid.u32  }
0x5b: {  	s1 =	rddreg [dreg:$0x1];
	p0 =	sne.s32 s2, $0x0  }
0x5c: {  	s3 =	rddreg [dreg:$0x2];
	[bflag:$0x3] =	sbarrier.arrive $0xFFFF;
	s2 =	simm.s32 @!p0 $0x1C01  }
0x5d: {  	[timem:s3], [sflag:s2] =	dma.local @!p0 [hbm:s0], s1  }
0x5e: {  	s0 =	simm.s32 @!p0 $0x1  }
0x5f: {  	_ =	swait.ge @!p0 [sflag:s0], s1  }
0x60: {  	s1 =	ssub.s32 @!p0 $0x0, s1;
	[sflag:s0] =	ssyncset.done @!p0 $0x0  }
0x61: {  	[sflag:s0] =	ssyncadd.s32 @!p0 s1  }
0x62: {  	[bflag:$0x3] =	sbarrier.arrive $0xFFFF  }
0x63: {  	_ =	shalt  }

</sc_bundles>
